<compile_context>
chip_gen: v7x
topology: tpu7x:2x2x1
jax: 0.10.2.dev20260603
libtpu: 0.0.44.dev20260713+nightly
codegen_flags: <defaults>
</compile_context>

<pallas_src>
import functools

import jax
import jax.numpy as jnp
from jax import lax
from jax.experimental import pallas as pl
from jax.experimental.pallas import tpu as pltpu
from jax.experimental.pallas import tpu_sc as plsc

NC = 2
NS = 16
NW = NC * NS
CHUNK = 128
NBUF = 2


def _cdiv(a, b):
    return (a + b - 1) // b



def _deg_body(npad, nch, rows_pt, dst_hbm, zeros_hbm, ones_hbm, out_hbm,
              idx_v, ones_v, acc_sh):
    c = lax.axis_index("c")
    s = lax.axis_index("s")
    wid = c * NS + s
    pltpu.sync_copy(zeros_hbm, acc_sh.at[pl.ds(s * rows_pt, rows_pt)])
    pltpu.sync_copy(ones_hbm, ones_v)
    pltpu.sync_copy(dst_hbm.at[wid], idx_v)
    plsc.subcore_barrier()

    def body(j, carry):
        pltpu.sync_copy(ones_v, acc_sh.at[idx_v.at[j]], add=True)
        return carry

    lax.fori_loop(0, nch, body, 0)
    plsc.subcore_barrier()
    pltpu.sync_copy(acc_sh.at[pl.ds(s * rows_pt, rows_pt)],
                    out_hbm.at[c, pl.ds(s * rows_pt, rows_pt)])


def _prop_body(npad, nch, rows_pt, feat, src_hbm, dst_hbm, g_hbm, zeros_hbm,
               out_hbm, sidx_v, didx_v, bufs_v, acc_sh, *sems):
    gsems = sems[:NBUF]
    ssems = sems[NBUF:]
    c = lax.axis_index("c")
    s = lax.axis_index("s")
    wid = c * NS + s
    pltpu.sync_copy(zeros_hbm, acc_sh.at[pl.ds(s * rows_pt, rows_pt)])
    pltpu.sync_copy(src_hbm.at[wid], sidx_v)
    pltpu.sync_copy(dst_hbm.at[wid], didx_v)
    plsc.subcore_barrier()

    for b in range(NBUF):
        pltpu.async_copy(g_hbm.at[sidx_v.at[b]], bufs_v.at[b], gsems[b])

    ngr = nch // NBUF

    def group(t, carry):
        base = t * NBUF
        for b in range(NBUF):
            pltpu.make_async_copy(g_hbm.at[sidx_v.at[base + b]],
                                  bufs_v.at[b], gsems[b]).wait()
            pltpu.async_copy(bufs_v.at[b], acc_sh.at[didx_v.at[base + b]],
                             ssems[b], add=True)
        nbase = base + NBUF
        for b in range(NBUF):
            pltpu.make_async_copy(bufs_v.at[b],
                                  acc_sh.at[didx_v.at[base + b]],
                                  ssems[b]).wait()
            pltpu.async_copy(g_hbm.at[sidx_v.at[nbase + b]],
                             bufs_v.at[b], gsems[b])
        return carry

    lax.fori_loop(0, ngr, group, 0)
    for b in range(NBUF):
        pltpu.make_async_copy(g_hbm.at[sidx_v.at[b]],
                              bufs_v.at[b], gsems[b]).wait()
    plsc.subcore_barrier()
    pltpu.sync_copy(acc_sh.at[pl.ds(s * rows_pt, rows_pt)],
                    out_hbm.at[c, pl.ds(s * rows_pt, rows_pt)])



def _pre1_body(n, x_ref, w1_ref, degp_ref, g1_ref, dinv_ref):
    deg = degp_ref[0][:, 0:1] + degp_ref[1][:, 0:1] + 1.0
    dinv = lax.rsqrt(deg)
    dinv_ref[...] = dinv
    h = jnp.dot(x_ref[...], w1_ref[...], preferred_element_type=jnp.float32)
    g1_ref[:n, :] = h * dinv[:n]
    g1_ref[n:, :] = jnp.zeros_like(g1_ref[n:, :])


def _mid_body(n, p1_ref, g1_ref, dinv_ref, b1_ref, gam_ref, bet_ref, w2_ref,
              g2_ref):
    dinv = dinv_ref[:n]
    h = (p1_ref[0][:n, :] + p1_ref[1][:n, :] + g1_ref[:n, :]) * dinv
    h = h + b1_ref[...]
    mu = jnp.mean(h, axis=0, keepdims=True)
    var = jnp.mean((h - mu) * (h - mu), axis=0, keepdims=True)
    a = gam_ref[...] * (h - mu) / jnp.sqrt(var + 1e-5) + bet_ref[...]
    a = jnp.maximum(a, 0.0)
    h2 = jnp.dot(a, w2_ref[...], preferred_element_type=jnp.float32)
    g2_ref[:n, :] = h2 * dinv
    g2_ref[n:, :] = jnp.zeros_like(g2_ref[n:, :])


def _fin_body(n, p2_ref, g2_ref, dinv_ref, b2_ref, out_ref):
    out_ref[...] = ((p2_ref[0][:n, :] + p2_ref[1][:n, :] + g2_ref[:n, :])
                    * dinv_ref[:n] + b2_ref[...])



def kernel(x, edge_index, W1, b1, gamma1, beta1, W2, b2):
    n, d = x.shape
    h = W1.shape[1]
    cdim = W2.shape[1]
    e = edge_index.shape[1]

    nch = _cdiv(_cdiv(_cdiv(e, NW), CHUNK), NBUF) * NBUF
    epw = nch * CHUNK
    epad = epw * NW
    rows_pt = _cdiv(_cdiv(n + 1, NW), 8) * 8
    npad = rows_pt * NW

    i32 = jnp.int32
    f32 = jnp.float32
    pad_src = jnp.full((epad - e,), n, dtype=i32)
    pad_dst = n + jnp.arange(epad - e, dtype=i32) % (npad - n)
    pblk_s = jnp.full((NW, NBUF, CHUNK), n, dtype=i32)
    pblk_d = n + jnp.arange(NW * NBUF * CHUNK, dtype=i32).reshape(
        NW, NBUF, CHUNK) % (npad - n)
    src_r = jnp.concatenate(
        [jnp.concatenate([edge_index[0], pad_src]).reshape(NW, nch, CHUNK),
         pblk_s], axis=1)
    dst_r = jnp.concatenate(
        [jnp.concatenate([edge_index[1], pad_dst]).reshape(NW, nch, CHUNK),
         pblk_d], axis=1)

    zeros16 = jnp.zeros((rows_pt, 16), f32)
    zerosh = jnp.zeros((rows_pt, h), f32)
    ones16 = jnp.ones((CHUNK, 16), f32)
    w2p = jnp.pad(W2, ((0, 0), (0, h - cdim)))
    b2p = jnp.pad(b2, (0, h - cdim)).reshape(1, h)

    mesh = plsc.VectorSubcoreMesh(core_axis_name="c", subcore_axis_name="s")
    sc_params = pltpu.CompilerParams(use_tc_tiling_on_sc=False)

    deg_call = pl.kernel(
        functools.partial(_deg_body, npad, nch, rows_pt),
        out_type=jax.ShapeDtypeStruct((NC, npad, 16), f32),
        mesh=mesh,
        compiler_params=sc_params,
        scratch_types=[
            pltpu.VMEM((nch + NBUF, CHUNK), i32),
            pltpu.VMEM((CHUNK, 16), f32),
            pltpu.VMEM_SHARED((npad, 16), f32),
        ],
    )
    degp = deg_call(dst_r, zeros16, ones16)

    prop_call = pl.kernel(
        functools.partial(_prop_body, npad, nch, rows_pt, h),
        out_type=jax.ShapeDtypeStruct((NC, npad, h), f32),
        mesh=mesh,
        compiler_params=sc_params,
        scratch_types=[
            pltpu.VMEM((nch + NBUF, CHUNK), i32),
            pltpu.VMEM((nch + NBUF, CHUNK), i32),
            pltpu.VMEM((NBUF, CHUNK, h), f32),
            pltpu.VMEM_SHARED((npad, h), f32),
        ] + [pltpu.SemaphoreType.DMA] * (2 * NBUF),
    )

    g1, dinv = pl.pallas_call(
        functools.partial(_pre1_body, n),
        out_shape=(jax.ShapeDtypeStruct((npad, h), f32),
                   jax.ShapeDtypeStruct((npad, 1), f32)),
    )(x, W1, degp)

    p1 = prop_call(src_r, dst_r, g1, zerosh)

    g2 = pl.pallas_call(
        functools.partial(_mid_body, n),
        out_shape=jax.ShapeDtypeStruct((npad, h), f32),
    )(p1, g1, dinv, b1.reshape(1, h), gamma1.reshape(1, h),
      beta1.reshape(1, h), w2p)

    p2 = prop_call(src_r, dst_r, g2, zerosh)

    logits = pl.pallas_call(
        functools.partial(_fin_body, n),
        out_shape=jax.ShapeDtypeStruct((n, h), f32),
    )(p2, g2, dinv, b2p)

    return logits[:, :cdim]

# --- scband reference (transcript-rebuilt; emitter-appended) ---
"""Pipeline reference for scband-gnnsafe-24481313587395 (READ-ONLY COPY).

The authoritative reference and input builder live on the scoring server;
editing this copy changes nothing except your own understanding.
"""

import jax, jax.numpy as jnp
import numpy as np

N = 10000
E = 320000
D = 128
H = 64
C = 40


def setup_inputs(seed: int = 0) -> dict:
    key = jax.random.key(seed)
    ks = jax.random.split(key, 8)
    x = jax.random.normal(ks[0], (N, D), dtype=jnp.float32)
    edge_index = jax.random.randint(ks[1], (2, E), 0, N, dtype=jnp.int32)
    W1 = jax.random.normal(ks[2], (D, H), dtype=jnp.float32) * (1.0 / np.sqrt(D))
    b1 = jnp.zeros((H,), dtype=jnp.float32)
    gamma1 = jnp.ones((H,), dtype=jnp.float32)
    beta1 = jnp.zeros((H,), dtype=jnp.float32)
    W2 = jax.random.normal(ks[3], (H, C), dtype=jnp.float32) * (1.0 / np.sqrt(H))
    b2 = jnp.zeros((C,), dtype=jnp.float32)
    return {"x": x, "edge_index": edge_index, "W1": W1, "b1": b1,
            "gamma1": gamma1, "beta1": beta1, "W2": W2, "b2": b2}


def _gcn_conv(x, edge_index, W, b):
    n = x.shape[0]
    loop = jnp.arange(n, dtype=edge_index.dtype)
    src = jnp.concatenate([edge_index[0], loop])
    dst = jnp.concatenate([edge_index[1], loop])
    deg = jax.ops.segment_sum(jnp.ones_like(dst, dtype=x.dtype), dst, num_segments=n)
    dinv = jnp.where(deg > 0, 1.0 / jnp.sqrt(deg), 0.0)
    norm = dinv[src] * dinv[dst]
    h = x @ W
    msg = h[src] * norm[:, None]
    out = jax.ops.segment_sum(msg, dst, num_segments=n)
    return out + b


def _batch_norm(h, gamma, beta):
    mu = h.mean(axis=0)
    var = h.var(axis=0)
    return gamma * (h - mu) / jnp.sqrt(var + 1e-5) + beta


def reference(x, edge_index, W1, b1, gamma1, beta1, W2, b2):
    # GNNSafe.forward with GCN backbone (2 layers, use_bn=True, dropout=0 in eval)
    h = _gcn_conv(x, edge_index, W1, b1)
    h = _batch_norm(h, gamma1, beta1)
    h = jax.nn.relu(h)
    logits = _gcn_conv(h, edge_index, W2, b2)
    return logits

if __name__ == "__main__":
    import jax
    _d = setup_inputs()
    print(jax.jit(kernel)(*tuple(_d.values())))

</pallas_src>

<mosaic_0001>
#map = affine_map<(d0, d1) -> (0, 0, 0)>
#map1 = affine_map<(d0, d1) -> (0, 0)>
module attributes {stable_mosaic.version = 14 : i64} {
  func.func @_deg_body(%arg0: i32, %arg1: i32, %arg2: memref<32x82x128xi32, #tpu.memory_space<hbm>>, %arg3: memref<320x16xf32, #tpu.memory_space<hbm>>, %arg4: memref<128x16xf32, #tpu.memory_space<hbm>>, %arg5: memref<2x10240x16xf32, #tpu.memory_space<hbm>>, %arg6: memref<82x128xi32, #tpu.memory_space<vmem>>, %arg7: memref<128x16xf32, #tpu.memory_space<vmem>>, %arg8: memref<10240x16xf32, #tpu.memory_space<vmem_shared>>) attributes {dimension_semantics = [#tpu.dimension_semantics<core_parallel>, #tpu.dimension_semantics<subcore_parallel>], iteration_bounds = array<i64: 2, 16>, scalar_prefetch = 0 : i64, scratch_operands = 3 : i64, tpu.core_type = #tpu.core_type<sc_vector_subcore>, window_params = [{transform_indices = #map}, {transform_indices = #map1}, {transform_indices = #map1}, {transform_indices = #map}]} {
    %mul3A = arith.constant 16 : i32
    %mul3A_0 = arith.muli %arg0, %mul3A : i32
    %add3A = arith.addi %mul3A_0, %arg1 : i32
    %mul3A_1 = arith.constant 320 : i32
    %mul3A_2 = arith.muli %arg1, %mul3A_1 : i32
    "tpu.region"() ({
      %run_scoped3A = tpu.sem_alloc : memref<!tpu.dma_semaphore, #tpu.memory_space<semaphore_mem>>
      %dma_start3A = arith.constant 0 : i32
      %dma_start3A_13 = tpu.memref_slice %arg8[%mul3A_2, %dma_start3A] : memref<10240x16xf32, #tpu.memory_space<vmem_shared>> -> memref<320x16xf32, #tpu.memory_space<vmem_shared>>
      tpu.enqueue_dma source(%arg3 : memref<320x16xf32, #tpu.memory_space<hbm>>) target(%dma_start3A_13 : memref<320x16xf32, #tpu.memory_space<vmem_shared>>) target_semaphore(%run_scoped3A : memref<!tpu.dma_semaphore, #tpu.memory_space<semaphore_mem>>)
      %dma_wait3A = arith.constant 0 : i32
      %dma_wait3A_14 = tpu.memref_slice %arg8[%mul3A_2, %dma_wait3A] : memref<10240x16xf32, #tpu.memory_space<vmem_shared>> -> memref<320x16xf32, #tpu.memory_space<vmem_shared>>
      tpu.wait_dma2 semaphore(%run_scoped3A : memref<!tpu.dma_semaphore, #tpu.memory_space<semaphore_mem>>) src(%arg3 : memref<320x16xf32, #tpu.memory_space<hbm>>) dst(%dma_wait3A_14 : memref<320x16xf32, #tpu.memory_space<vmem_shared>>)
      tpu.yield
    }) : () -> ()
    "tpu.region"() ({
      %run_scoped3A = tpu.sem_alloc : memref<!tpu.dma_semaphore, #tpu.memory_space<semaphore_mem>>
      tpu.enqueue_dma source(%arg4 : memref<128x16xf32, #tpu.memory_space<hbm>>) target(%arg7 : memref<128x16xf32, #tpu.memory_space<vmem>>) target_semaphore(%run_scoped3A : memref<!tpu.dma_semaphore, #tpu.memory_space<semaphore_mem>>)
      tpu.wait_dma2 semaphore(%run_scoped3A : memref<!tpu.dma_semaphore, #tpu.memory_space<semaphore_mem>>) src(%arg4 : memref<128x16xf32, #tpu.memory_space<hbm>>) dst(%arg7 : memref<128x16xf32, #tpu.memory_space<vmem>>)
      tpu.yield
    }) : () -> ()
    "tpu.region"() ({
      %run_scoped3A = tpu.sem_alloc : memref<!tpu.dma_semaphore, #tpu.memory_space<semaphore_mem>>
      %dma_start3A = arith.constant 0 : i32
      %dma_start3A_13 = arith.constant 0 : i32
      %dma_start3A_14 = tpu.memref_slice %arg2[%add3A, %dma_start3A, %dma_start3A_13] : memref<32x82x128xi32, #tpu.memory_space<hbm>> -> memref<1x82x128xi32, #tpu.memory_space<hbm>>
      %dma_start3A_15 = tpu.memref_squeeze %dma_start3A_14 : memref<1x82x128xi32, #tpu.memory_space<hbm>> -> memref<82x128xi32, #tpu.memory_space<hbm>>
      %dma_start3A_16 = arith.constant 0 : i32
      %dma_start3A_17 = arith.constant 0 : i32
      %dma_start3A_18 = tpu.memref_slice %arg2[%add3A, %dma_start3A_16, %dma_start3A_17] : memref<32x82x128xi32, #tpu.memory_space<hbm>> -> memref<1x82x128xi32, #tpu.memory_space<hbm>>
      %dma_start3A_19 = tpu.memref_squeeze %dma_start3A_18 : memref<1x82x128xi32, #tpu.memory_space<hbm>> -> memref<82x128xi32, #tpu.memory_space<hbm>>
      tpu.enqueue_dma source(%dma_start3A_19 : memref<82x128xi32, #tpu.memory_space<hbm>>) target(%arg6 : memref<82x128xi32, #tpu.memory_space<vmem>>) target_semaphore(%run_scoped3A : memref<!tpu.dma_semaphore, #tpu.memory_space<semaphore_mem>>)
      %dma_wait3A = arith.constant 0 : i32
      %dma_wait3A_20 = arith.constant 0 : i32
      %dma_wait3A_21 = tpu.memref_slice %arg2[%add3A, %dma_wait3A, %dma_wait3A_20] : memref<32x82x128xi32, #tpu.memory_space<hbm>> -> memref<1x82x128xi32, #tpu.memory_space<hbm>>
      %dma_wait3A_22 = tpu.memref_squeeze %dma_wait3A_21 : memref<1x82x128xi32, #tpu.memory_space<hbm>> -> memref<82x128xi32, #tpu.memory_space<hbm>>
      %dma_wait3A_23 = arith.constant 0 : i32
      %dma_wait3A_24 = arith.constant 0 : i32
      %dma_wait3A_25 = tpu.memref_slice %arg2[%add3A, %dma_wait3A_23, %dma_wait3A_24] : memref<32x82x128xi32, #tpu.memory_space<hbm>> -> memref<1x82x128xi32, #tpu.memory_space<hbm>>
      %dma_wait3A_26 = tpu.memref_squeeze %dma_wait3A_25 : memref<1x82x128xi32, #tpu.memory_space<hbm>> -> memref<82x128xi32, #tpu.memory_space<hbm>>
      tpu.wait_dma2 semaphore(%run_scoped3A : memref<!tpu.dma_semaphore, #tpu.memory_space<semaphore_mem>>) src(%dma_wait3A_26 : memref<82x128xi32, #tpu.memory_space<hbm>>) dst(%arg6 : memref<82x128xi32, #tpu.memory_space<vmem>>)
      tpu.yield
    }) : () -> ()
    %barrier3A = arith.constant 0 : index
    tpu.barrier barrier_id(%barrier3A)
    %scan3A = arith.constant 0 : i32
    %scan3A_3 = arith.constant 0 : i32
    %scan3A_4 = arith.constant 80 : i32
    %scan3A_5 = arith.addi %scan3A_3, %scan3A_4 : i32
    %scan3A_6 = arith.constant 1 : i32
    scf.for %scan3A_13 = %scan3A_3 to %scan3A_5 step %scan3A_6  : i32 {
      "tpu.region"() ({
        %run_scoped3A = tpu.sem_alloc : memref<!tpu.dma_semaphore, #tpu.memory_space<semaphore_mem>>
        %dma_start3A = arith.constant 0 : i32
        %dma_start3A_14 = tpu.memref_slice %arg6[%scan3A_13, %dma_start3A] : memref<82x128xi32, #tpu.memory_space<vmem>> -> memref<1x128xi32, #tpu.memory_space<vmem>>
        %dma_start3A_15 = tpu.memref_squeeze %dma_start3A_14 : memref<1x128xi32, #tpu.memory_space<vmem>> -> memref<128xi32, #tpu.memory_space<vmem>>
        %dma_start3A_16 = arith.constant 0 : i32
        %dma_start3A_17 = arith.constant 0 : i32
        %dma_start3A_18 = tpu.memref_slice %arg8[%dma_start3A_16, %dma_start3A_17] : memref<10240x16xf32, #tpu.memory_space<vmem_shared>> -> memref<10240x16xf32, #tpu.memory_space<vmem_shared>>
        tpu.enqueue_indirect_dma source(%arg7 : memref<128x16xf32, #tpu.memory_space<vmem>>) target(%dma_start3A_18 : memref<10240x16xf32, #tpu.memory_space<vmem_shared>>) offsets(%dma_start3A_15 : memref<128xi32, #tpu.memory_space<vmem>>) semaphore(%run_scoped3A : memref<!tpu.dma_semaphore, #tpu.memory_space<semaphore_mem>>) {add = true}
        %dma_wait3A = arith.constant 0 : i32
        %dma_wait3A_19 = tpu.memref_slice %arg6[%scan3A_13, %dma_wait3A] : memref<82x128xi32, #tpu.memory_space<vmem>> -> memref<1x128xi32, #tpu.memory_space<vmem>>
        %dma_wait3A_20 = tpu.memref_squeeze %dma_wait3A_19 : memref<1x128xi32, #tpu.memory_space<vmem>> -> memref<128xi32, #tpu.memory_space<vmem>>
        %dma_wait3A_21 = arith.constant 0 : i32
        %dma_wait3A_22 = arith.constant 0 : i32
        %dma_wait3A_23 = tpu.memref_slice %arg8[%dma_wait3A_21, %dma_wait3A_22] : memref<10240x16xf32, #tpu.memory_space<vmem_shared>> -> memref<10240x16xf32, #tpu.memory_space<vmem_shared>>
        tpu.wait_indirect_dma semaphore(%run_scoped3A : memref<!tpu.dma_semaphore, #tpu.memory_space<semaphore_mem>>) src(%arg7 : memref<128x16xf32, #tpu.memory_space<vmem>>) dst(%dma_wait3A_23 : memref<10240x16xf32, #tpu.memory_space<vmem_shared>>)
        tpu.yield
      }) : () -> ()
    }
    %scan3A_7 = arith.constant 80 : i32
    %barrier3A_8 = arith.constant 0 : index
    tpu.barrier barrier_id(%barrier3A_8)
    %mul3A_9 = arith.constant 320 : i32
    %mul3A_10 = arith.muli %arg1, %mul3A_9 : i32
    %mul3A_11 = arith.constant 320 : i32
    %mul3A_12 = arith.muli %arg1, %mul3A_11 : i32
    "tpu.region"() ({
      %run_scoped3A = tpu.sem_alloc : memref<!tpu.dma_semaphore, #tpu.memory_space<semaphore_mem>>
      %dma_start3A = arith.constant 0 : i32
      %dma_start3A_13 = tpu.memref_slice %arg5[%arg0, %mul3A_12, %dma_start3A] : memref<2x10240x16xf32, #tpu.memory_space<hbm>> -> memref<1x320x16xf32, #tpu.memory_space<hbm>>
      %dma_start3A_14 = tpu.memref_squeeze %dma_start3A_13 : memref<1x320x16xf32, #tpu.memory_space<hbm>> -> memref<320x16xf32, #tpu.memory_space<hbm>>
      %dma_start3A_15 = arith.constant 0 : i32
      %dma_start3A_16 = tpu.memref_slice %arg8[%mul3A_10, %dma_start3A_15] : memref<10240x16xf32, #tpu.memory_space<vmem_shared>> -> memref<320x16xf32, #tpu.memory_space<vmem_shared>>
      tpu.enqueue_dma source(%dma_start3A_16 : memref<320x16xf32, #tpu.memory_space<vmem_shared>>) target(%dma_start3A_14 : memref<320x16xf32, #tpu.memory_space<hbm>>) target_semaphore(%run_scoped3A : memref<!tpu.dma_semaphore, #tpu.memory_space<semaphore_mem>>)
      %dma_wait3A = arith.constant 0 : i32
      %dma_wait3A_17 = tpu.memref_slice %arg5[%arg0, %mul3A_12, %dma_wait3A] : memref<2x10240x16xf32, #tpu.memory_space<hbm>> -> memref<1x320x16xf32, #tpu.memory_space<hbm>>
      %dma_wait3A_18 = tpu.memref_squeeze %dma_wait3A_17 : memref<1x320x16xf32, #tpu.memory_space<hbm>> -> memref<320x16xf32, #tpu.memory_space<hbm>>
      %dma_wait3A_19 = arith.constant 0 : i32
      %dma_wait3A_20 = tpu.memref_slice %arg8[%mul3A_10, %dma_wait3A_19] : memref<10240x16xf32, #tpu.memory_space<vmem_shared>> -> memref<320x16xf32, #tpu.memory_space<vmem_shared>>
      tpu.wait_dma2 semaphore(%run_scoped3A : memref<!tpu.dma_semaphore, #tpu.memory_space<semaphore_mem>>) src(%dma_wait3A_20 : memref<320x16xf32, #tpu.memory_space<vmem_shared>>) dst(%dma_wait3A_18 : memref<320x16xf32, #tpu.memory_space<hbm>>)
      tpu.yield
    }) : () -> ()
    return
  }
}

#map = affine_map<(d0, d1) -> (0, 0, 0)>
#map1 = affine_map<(d0, d1) -> (0, 0)>
module attributes {stable_mosaic.version = 14 : i64} {
  func.func @_prop_body(%arg0: i32, %arg1: i32, %arg2: memref<32x82x128xi32, #tpu.memory_space<hbm>>, %arg3: memref<32x82x128xi32, #tpu.memory_space<hbm>>, %arg4: memref<10240x64xf32, #tpu.memory_space<hbm>>, %arg5: memref<320x64xf32, #tpu.memory_space<hbm>>, %arg6: memref<2x10240x64xf32, #tpu.memory_space<hbm>>, %arg7: memref<82x128xi32, #tpu.memory_space<vmem>>, %arg8: memref<82x128xi32, #tpu.memory_space<vmem>>, %arg9: memref<2x128x64xf32, #tpu.memory_space<vmem>>, %arg10: memref<10240x64xf32, #tpu.memory_space<vmem_shared>>, %arg11: memref<!tpu.dma_semaphore, #tpu.memory_space<semaphore_mem>>, %arg12: memref<!tpu.dma_semaphore, #tpu.memory_space<semaphore_mem>>, %arg13: memref<!tpu.dma_semaphore, #tpu.memory_space<semaphore_mem>>, %arg14: memref<!tpu.dma_semaphore, #tpu.memory_space<semaphore_mem>>) attributes {dimension_semantics = [#tpu.dimension_semantics<core_parallel>, #tpu.dimension_semantics<subcore_parallel>], iteration_bounds = array<i64: 2, 16>, scalar_prefetch = 0 : i64, scratch_operands = 8 : i64, tpu.core_type = #tpu.core_type<sc_vector_subcore>, window_params = [{transform_indices = #map}, {transform_indices = #map}, {transform_indices = #map1}, {transform_indices = #map1}, {transform_indices = #map}]} {
    %mul3A = arith.constant 16 : i32
    %mul3A_0 = arith.muli %arg0, %mul3A : i32
    %add3A = arith.addi %mul3A_0, %arg1 : i32
    %mul3A_1 = arith.constant 320 : i32
    %mul3A_2 = arith.muli %arg1, %mul3A_1 : i32
    "tpu.region"() ({
      %run_scoped3A = tpu.sem_alloc : memref<!tpu.dma_semaphore, #tpu.memory_space<semaphore_mem>>
      %dma_start3A_59 = arith.constant 0 : i32
      %dma_start3A_60 = tpu.memref_slice %arg10[%mul3A_2, %dma_start3A_59] : memref<10240x64xf32, #tpu.memory_space<vmem_shared>> -> memref<320x64xf32, #tpu.memory_space<vmem_shared>>
      tpu.enqueue_dma source(%arg5 : memref<320x64xf32, #tpu.memory_space<hbm>>) target(%dma_start3A_60 : memref<320x64xf32, #tpu.memory_space<vmem_shared>>) target_semaphore(%run_scoped3A : memref<!tpu.dma_semaphore, #tpu.memory_space<semaphore_mem>>)
      %dma_wait3A_61 = arith.constant 0 : i32
      %dma_wait3A_62 = tpu.memref_slice %arg10[%mul3A_2, %dma_wait3A_61] : memref<10240x64xf32, #tpu.memory_space<vmem_shared>> -> memref<320x64xf32, #tpu.memory_space<vmem_shared>>
      tpu.wait_dma2 semaphore(%run_scoped3A : memref<!tpu.dma_semaphore, #tpu.memory_space<semaphore_mem>>) src(%arg5 : memref<320x64xf32, #tpu.memory_space<hbm>>) dst(%dma_wait3A_62 : memref<320x64xf32, #tpu.memory_space<vmem_shared>>)
      tpu.yield
    }) : () -> ()
    "tpu.region"() ({
      %run_scoped3A = tpu.sem_alloc : memref<!tpu.dma_semaphore, #tpu.memory_space<semaphore_mem>>
      %dma_start3A_59 = arith.constant 0 : i32
      %dma_start3A_60 = arith.constant 0 : i32
      %dma_start3A_61 = tpu.memref_slice %arg2[%add3A, %dma_start3A_59, %dma_start3A_60] : memref<32x82x128xi32, #tpu.memory_space<hbm>> -> memref<1x82x128xi32, #tpu.memory_space<hbm>>
      %dma_start3A_62 = tpu.memref_squeeze %dma_start3A_61 : memref<1x82x128xi32, #tpu.memory_space<hbm>> -> memref<82x128xi32, #tpu.memory_space<hbm>>
      %dma_start3A_63 = arith.constant 0 : i32
      %dma_start3A_64 = arith.constant 0 : i32
      %dma_start3A_65 = tpu.memref_slice %arg2[%add3A, %dma_start3A_63, %dma_start3A_64] : memref<32x82x128xi32, #tpu.memory_space<hbm>> -> memref<1x82x128xi32, #tpu.memory_space<hbm>>
      %dma_start3A_66 = tpu.memref_squeeze %dma_start3A_65 : memref<1x82x128xi32, #tpu.memory_space<hbm>> -> memref<82x128xi32, #tpu.memory_space<hbm>>
      tpu.enqueue_dma source(%dma_start3A_66 : memref<82x128xi32, #tpu.memory_space<hbm>>) target(%arg7 : memref<82x128xi32, #tpu.memory_space<vmem>>) target_semaphore(%run_scoped3A : memref<!tpu.dma_semaphore, #tpu.memory_space<semaphore_mem>>)
      %dma_wait3A_67 = arith.constant 0 : i32
      %dma_wait3A_68 = arith.constant 0 : i32
      %dma_wait3A_69 = tpu.memref_slice %arg2[%add3A, %dma_wait3A_67, %dma_wait3A_68] : memref<32x82x128xi32, #tpu.memory_space<hbm>> -> memref<1x82x128xi32, #tpu.memory_space<hbm>>
      %dma_wait3A_70 = tpu.memref_squeeze %dma_wait3A_69 : memref<1x82x128xi32, #tpu.memory_space<hbm>> -> memref<82x128xi32, #tpu.memory_space<hbm>>
      %dma_wait3A_71 = arith.constant 0 : i32
      %dma_wait3A_72 = arith.constant 0 : i32
      %dma_wait3A_73 = tpu.memref_slice %arg2[%add3A, %dma_wait3A_71, %dma_wait3A_72] : memref<32x82x128xi32, #tpu.memory_space<hbm>> -> memref<1x82x128xi32, #tpu.memory_space<hbm>>
      %dma_wait3A_74 = tpu.memref_squeeze %dma_wait3A_73 : memref<1x82x128xi32, #tpu.memory_space<hbm>> -> memref<82x128xi32, #tpu.memory_space<hbm>>
      tpu.wait_dma2 semaphore(%run_scoped3A : memref<!tpu.dma_semaphore, #tpu.memory_space<semaphore_mem>>) src(%dma_wait3A_74 : memref<82x128xi32, #tpu.memory_space<hbm>>) dst(%arg7 : memref<82x128xi32, #tpu.memory_space<vmem>>)
      tpu.yield
    }) : () -> ()
    "tpu.region"() ({
      %run_scoped3A = tpu.sem_alloc : memref<!tpu.dma_semaphore, #tpu.memory_space<semaphore_mem>>
      %dma_start3A_59 = arith.constant 0 : i32
      %dma_start3A_60 = arith.constant 0 : i32
      %dma_start3A_61 = tpu.memref_slice %arg3[%add3A, %dma_start3A_59, %dma_start3A_60] : memref<32x82x128xi32, #tpu.memory_space<hbm>> -> memref<1x82x128xi32, #tpu.memory_space<hbm>>
      %dma_start3A_62 = tpu.memref_squeeze %dma_start3A_61 : memref<1x82x128xi32, #tpu.memory_space<hbm>> -> memref<82x128xi32, #tpu.memory_space<hbm>>
      %dma_start3A_63 = arith.constant 0 : i32
      %dma_start3A_64 = arith.constant 0 : i32
      %dma_start3A_65 = tpu.memref_slice %arg3[%add3A, %dma_start3A_63, %dma_start3A_64] : memref<32x82x128xi32, #tpu.memory_space<hbm>> -> memref<1x82x128xi32, #tpu.memory_space<hbm>>
      %dma_start3A_66 = tpu.memref_squeeze %dma_start3A_65 : memref<1x82x128xi32, #tpu.memory_space<hbm>> -> memref<82x128xi32, #tpu.memory_space<hbm>>
      tpu.enqueue_dma source(%dma_start3A_66 : memref<82x128xi32, #tpu.memory_space<hbm>>) target(%arg8 : memref<82x128xi32, #tpu.memory_space<vmem>>) target_semaphore(%run_scoped3A : memref<!tpu.dma_semaphore, #tpu.memory_space<semaphore_mem>>)
      %dma_wait3A_67 = arith.constant 0 : i32
      %dma_wait3A_68 = arith.constant 0 : i32
      %dma_wait3A_69 = tpu.memref_slice %arg3[%add3A, %dma_wait3A_67, %dma_wait3A_68] : memref<32x82x128xi32, #tpu.memory_space<hbm>> -> memref<1x82x128xi32, #tpu.memory_space<hbm>>
      %dma_wait3A_70 = tpu.memref_squeeze %dma_wait3A_69 : memref<1x82x128xi32, #tpu.memory_space<hbm>> -> memref<82x128xi32, #tpu.memory_space<hbm>>
      %dma_wait3A_71 = arith.constant 0 : i32
      %dma_wait3A_72 = arith.constant 0 : i32
      %dma_wait3A_73 = tpu.memref_slice %arg3[%add3A, %dma_wait3A_71, %dma_wait3A_72] : memref<32x82x128xi32, #tpu.memory_space<hbm>> -> memref<1x82x128xi32, #tpu.memory_space<hbm>>
      %dma_wait3A_74 = tpu.memref_squeeze %dma_wait3A_73 : memref<1x82x128xi32, #tpu.memory_space<hbm>> -> memref<82x128xi32, #tpu.memory_space<hbm>>
      tpu.wait_dma2 semaphore(%run_scoped3A : memref<!tpu.dma_semaphore, #tpu.memory_space<semaphore_mem>>) src(%dma_wait3A_74 : memref<82x128xi32, #tpu.memory_space<hbm>>) dst(%arg8 : memref<82x128xi32, #tpu.memory_space<vmem>>)
      tpu.yield
    }) : () -> ()
    %barrier3A = arith.constant 0 : index
    tpu.barrier barrier_id(%barrier3A)
    %dma_start3A = arith.constant 0 : i32
    %dma_start3A_3 = arith.constant 0 : i32
    %dma_start3A_4 = arith.constant 0 : i32
    %dma_start3A_5 = arith.constant 0 : i32
    %dma_start3A_6 = tpu.memref_slice %arg9[%dma_start3A_3, %dma_start3A_4, %dma_start3A_5] : memref<2x128x64xf32, #tpu.memory_space<vmem>> -> memref<1x128x64xf32, #tpu.memory_space<vmem>>
    %dma_start3A_7 = tpu.memref_squeeze %dma_start3A_6 : memref<1x128x64xf32, #tpu.memory_space<vmem>> -> memref<128x64xf32, #tpu.memory_space<vmem>>
    %dma_start3A_8 = arith.constant 0 : i32
    %dma_start3A_9 = tpu.memref_slice %arg7[%dma_start3A, %dma_start3A_8] : memref<82x128xi32, #tpu.memory_space<vmem>> -> memref<1x128xi32, #tpu.memory_space<vmem>>
    %dma_start3A_10 = tpu.memref_squeeze %dma_start3A_9 : memref<1x128xi32, #tpu.memory_space<vmem>> -> memref<128xi32, #tpu.memory_space<vmem>>
    %dma_start3A_11 = arith.constant 0 : i32
    %dma_start3A_12 = arith.constant 0 : i32
    %dma_start3A_13 = tpu.memref_slice %arg4[%dma_start3A_11, %dma_start3A_12] : memref<10240x64xf32, #tpu.memory_space<hbm>> -> memref<10240x64xf32, #tpu.memory_space<hbm>>
    tpu.enqueue_indirect_dma source(%dma_start3A_13 : memref<10240x64xf32, #tpu.memory_space<hbm>>) target(%dma_start3A_7 : memref<128x64xf32, #tpu.memory_space<vmem>>) offsets(%dma_start3A_10 : memref<128xi32, #tpu.memory_space<vmem>>) semaphore(%arg11 : memref<!tpu.dma_semaphore, #tpu.memory_space<semaphore_mem>>)
    %dma_start3A_14 = arith.constant 1 : i32
    %dma_start3A_15 = arith.constant 1 : i32
    %dma_start3A_16 = arith.constant 0 : i32
    %dma_start3A_17 = arith.constant 0 : i32
    %dma_start3A_18 = tpu.memref_slice %arg9[%dma_start3A_15, %dma_start3A_16, %dma_start3A_17] : memref<2x128x64xf32, #tpu.memory_space<vmem>> -> memref<1x128x64xf32, #tpu.memory_space<vmem>>
    %dma_start3A_19 = tpu.memref_squeeze %dma_start3A_18 : memref<1x128x64xf32, #tpu.memory_space<vmem>> -> memref<128x64xf32, #tpu.memory_space<vmem>>
    %dma_start3A_20 = arith.constant 0 : i32
    %dma_start3A_21 = tpu.memref_slice %arg7[%dma_start3A_14, %dma_start3A_20] : memref<82x128xi32, #tpu.memory_space<vmem>> -> memref<1x128xi32, #tpu.memory_space<vmem>>
    %dma_start3A_22 = tpu.memref_squeeze %dma_start3A_21 : memref<1x128xi32, #tpu.memory_space<vmem>> -> memref<128xi32, #tpu.memory_space<vmem>>
    %dma_start3A_23 = arith.constant 0 : i32
    %dma_start3A_24 = arith.constant 0 : i32
    %dma_start3A_25 = tpu.memref_slice %arg4[%dma_start3A_23, %dma_start3A_24] : memref<10240x64xf32, #tpu.memory_space<hbm>> -> memref<10240x64xf32, #tpu.memory_space<hbm>>
    tpu.enqueue_indirect_dma source(%dma_start3A_25 : memref<10240x64xf32, #tpu.memory_space<hbm>>) target(%dma_start3A_19 : memref<128x64xf32, #tpu.memory_space<vmem>>) offsets(%dma_start3A_22 : memref<128xi32, #tpu.memory_space<vmem>>) semaphore(%arg12 : memref<!tpu.dma_semaphore, #tpu.memory_space<semaphore_mem>>)
    %scan3A = arith.constant 0 : i32
    %scan3A_26 = arith.constant 0 : i32
    %scan3A_27 = arith.constant 40 : i32
    %scan3A_28 = arith.addi %scan3A_26, %scan3A_27 : i32
    %scan3A_29 = arith.constant 1 : i32
    scf.for %scan3A_59 = %scan3A_26 to %scan3A_28 step %scan3A_29  : i32 {
      %mul3A_60 = arith.constant 2 : i32
      %mul3A_61 = arith.muli %scan3A_59, %mul3A_60 : i32
      %add3A_62 = arith.constant 0 : i32
      %add3A_63 = arith.addi %mul3A_61, %add3A_62 : i32
      %dma_wait3A_64 = arith.constant 0 : i32
      %dma_wait3A_65 = arith.constant 0 : i32
      %dma_wait3A_66 = arith.constant 0 : i32
      %dma_wait3A_67 = tpu.memref_slice %arg9[%dma_wait3A_64, %dma_wait3A_65, %dma_wait3A_66] : memref<2x128x64xf32, #tpu.memory_space<vmem>> -> memref<1x128x64xf32, #tpu.memory_space<vmem>>
      %dma_wait3A_68 = tpu.memref_squeeze %dma_wait3A_67 : memref<1x128x64xf32, #tpu.memory_space<vmem>> -> memref<128x64xf32, #tpu.memory_space<vmem>>
      %dma_wait3A_69 = arith.constant 0 : i32
      %dma_wait3A_70 = tpu.memref_slice %arg7[%add3A_63, %dma_wait3A_69] : memref<82x128xi32, #tpu.memory_space<vmem>> -> memref<1x128xi32, #tpu.memory_space<vmem>>
      %dma_wait3A_71 = tpu.memref_squeeze %dma_wait3A_70 : memref<1x128xi32, #tpu.memory_space<vmem>> -> memref<128xi32, #tpu.memory_space<vmem>>
      %dma_wait3A_72 = arith.constant 0 : i32
      %dma_wait3A_73 = arith.constant 0 : i32
      %dma_wait3A_74 = tpu.memref_slice %arg4[%dma_wait3A_72, %dma_wait3A_73] : memref<10240x64xf32, #tpu.memory_space<hbm>> -> memref<10240x64xf32, #tpu.memory_space<hbm>>
      tpu.wait_indirect_dma semaphore(%arg11 : memref<!tpu.dma_semaphore, #tpu.memory_space<semaphore_mem>>) src(%dma_wait3A_74 : memref<10240x64xf32, #tpu.memory_space<hbm>>) dst(%dma_wait3A_68 : memref<128x64xf32, #tpu.memory_space<vmem>>)
      %add3A_75 = arith.constant 0 : i32
      %add3A_76 = arith.addi %mul3A_61, %add3A_75 : i32
      %dma_start3A_77 = arith.constant 0 : i32
      %dma_start3A_78 = arith.constant 0 : i32
      %dma_start3A_79 = arith.constant 0 : i32
      %dma_start3A_80 = tpu.memref_slice %arg9[%dma_start3A_77, %dma_start3A_78, %dma_start3A_79] : memref<2x128x64xf32, #tpu.memory_space<vmem>> -> memref<1x128x64xf32, #tpu.memory_space<vmem>>
      %dma_start3A_81 = tpu.memref_squeeze %dma_start3A_80 : memref<1x128x64xf32, #tpu.memory_space<vmem>> -> memref<128x64xf32, #tpu.memory_space<vmem>>
      %dma_start3A_82 = arith.constant 0 : i32
      %dma_start3A_83 = tpu.memref_slice %arg8[%add3A_76, %dma_start3A_82] : memref<82x128xi32, #tpu.memory_space<vmem>> -> memref<1x128xi32, #tpu.memory_space<vmem>>
      %dma_start3A_84 = tpu.memref_squeeze %dma_start3A_83 : memref<1x128xi32, #tpu.memory_space<vmem>> -> memref<128xi32, #tpu.memory_space<vmem>>
      %dma_start3A_85 = arith.constant 0 : i32
      %dma_start3A_86 = arith.constant 0 : i32
      %dma_start3A_87 = tpu.memref_slice %arg10[%dma_start3A_85, %dma_start3A_86] : memref<10240x64xf32, #tpu.memory_space<vmem_shared>> -> memref<10240x64xf32, #tpu.memory_space<vmem_shared>>
      tpu.enqueue_indirect_dma source(%dma_start3A_81 : memref<128x64xf32, #tpu.memory_space<vmem>>) target(%dma_start3A_87 : memref<10240x64xf32, #tpu.memory_space<vmem_shared>>) offsets(%dma_start3A_84 : memref<128xi32, #tpu.memory_space<vmem>>) semaphore(%arg13 : memref<!tpu.dma_semaphore, #tpu.memory_space<semaphore_mem>>) {add = true}
      %add3A_88 = arith.constant 1 : i32
      %add3A_89 = arith.addi %mul3A_61, %add3A_88 : i32
      %dma_wait3A_90 = arith.constant 1 : i32
      %dma_wait3A_91 = arith.constant 0 : i32
      %dma_wait3A_92 = arith.constant 0 : i32
      %dma_wait3A_93 = tpu.memref_slice %arg9[%dma_wait3A_90, %dma_wait3A_91, %dma_wait3A_92] : memref<2x128x64xf32, #tpu.memory_space<vmem>> -> memref<1x128x64xf32, #tpu.memory_space<vmem>>
      %dma_wait3A_94 = tpu.memref_squeeze %dma_wait3A_93 : memref<1x128x64xf32, #tpu.memory_space<vmem>> -> memref<128x64xf32, #tpu.memory_space<vmem>>
      %dma_wait3A_95 = arith.constant 0 : i32
      %dma_wait3A_96 = tpu.memref_slice %arg7[%add3A_89, %dma_wait3A_95] : memref<82x128xi32, #tpu.memory_space<vmem>> -> memref<1x128xi32, #tpu.memory_space<vmem>>
      %dma_wait3A_97 = tpu.memref_squeeze %dma_wait3A_96 : memref<1x128xi32, #tpu.memory_space<vmem>> -> memref<128xi32, #tpu.memory_space<vmem>>
      %dma_wait3A_98 = arith.constant 0 : i32
      %dma_wait3A_99 = arith.constant 0 : i32
      %dma_wait3A_100 = tpu.memref_slice %arg4[%dma_wait3A_98, %dma_wait3A_99] : memref<10240x64xf32, #tpu.memory_space<hbm>> -> memref<10240x64xf32, #tpu.memory_space<hbm>>
      tpu.wait_indirect_dma semaphore(%arg12 : memref<!tpu.dma_semaphore, #tpu.memory_space<semaphore_mem>>) src(%dma_wait3A_100 : memref<10240x64xf32, #tpu.memory_space<hbm>>) dst(%dma_wait3A_94 : memref<128x64xf32, #tpu.memory_space<vmem>>)
      %add3A_101 = arith.constant 1 : i32
      %add3A_102 = arith.addi %mul3A_61, %add3A_101 : i32
      %dma_start3A_103 = arith.constant 1 : i32
      %dma_start3A_104 = arith.constant 0 : i32
      %dma_start3A_105 = arith.constant 0 : i32
      %dma_start3A_106 = tpu.memref_slice %arg9[%dma_start3A_103, %dma_start3A_104, %dma_start3A_105] : memref<2x128x64xf32, #tpu.memory_space<vmem>> -> memref<1x128x64xf32, #tpu.memory_space<vmem>>
      %dma_start3A_107 = tpu.memref_squeeze %dma_start3A_106 : memref<1x128x64xf32, #tpu.memory_space<vmem>> -> memref<128x64xf32, #tpu.memory_space<vmem>>
      %dma_start3A_108 = arith.constant 0 : i32
      %dma_start3A_109 = tpu.memref_slice %arg8[%add3A_102, %dma_start3A_108] : memref<82x128xi32, #tpu.memory_space<vmem>> -> memref<1x128xi32, #tpu.memory_space<vmem>>
      %dma_start3A_110 = tpu.memref_squeeze %dma_start3A_109 : memref<1x128xi32, #tpu.memory_space<vmem>> -> memref<128xi32, #tpu.memory_space<vmem>>
      %dma_start3A_111 = arith.constant 0 : i32
      %dma_start3A_112 = arith.constant 0 : i32
      %dma_start3A_113 = tpu.memref_slice %arg10[%dma_start3A_111, %dma_start3A_112] : memref<10240x64xf32, #tpu.memory_space<vmem_shared>> -> memref<10240x64xf32, #tpu.memory_space<vmem_shared>>
      tpu.enqueue_indirect_dma source(%dma_start3A_107 : memref<128x64xf32, #tpu.memory_space<vmem>>) target(%dma_start3A_113 : memref<10240x64xf32, #tpu.memory_space<vmem_shared>>) offsets(%dma_start3A_110 : memref<128xi32, #tpu.memory_space<vmem>>) semaphore(%arg14 : memref<!tpu.dma_semaphore, #tpu.memory_space<semaphore_mem>>) {add = true}
      %add3A_114 = arith.constant 2 : i32
      %add3A_115 = arith.addi %mul3A_61, %add3A_114 : i32
      %add3A_116 = arith.constant 0 : i32
      %add3A_117 = arith.addi %mul3A_61, %add3A_116 : i32
      %dma_wait3A_118 = arith.constant 0 : i32
      %dma_wait3A_119 = arith.constant 0 : i32
      %dma_wait3A_120 = arith.constant 0 : i32
      %dma_wait3A_121 = tpu.memref_slice %arg9[%dma_wait3A_118, %dma_wait3A_119, %dma_wait3A_120] : memref<2x128x64xf32, #tpu.memory_space<vmem>> -> memref<1x128x64xf32, #tpu.memory_space<vmem>>
      %dma_wait3A_122 = tpu.memref_squeeze %dma_wait3A_121 : memref<1x128x64xf32, #tpu.memory_space<vmem>> -> memref<128x64xf32, #tpu.memory_space<vmem>>
      %dma_wait3A_123 = arith.constant 0 : i32
      %dma_wait3A_124 = tpu.memref_slice %arg8[%add3A_117, %dma_wait3A_123] : memref<82x128xi32, #tpu.memory_space<vmem>> -> memref<1x128xi32, #tpu.memory_space<vmem>>
      %dma_wait3A_125 = tpu.memref_squeeze %dma_wait3A_124 : memref<1x128xi32, #tpu.memory_space<vmem>> -> memref<128xi32, #tpu.memory_space<vmem>>
      %dma_wait3A_126 = arith.constant 0 : i32
      %dma_wait3A_127 = arith.constant 0 : i32
      %dma_wait3A_128 = tpu.memref_slice %arg10[%dma_wait3A_126, %dma_wait3A_127] : memref<10240x64xf32, #tpu.memory_space<vmem_shared>> -> memref<10240x64xf32, #tpu.memory_space<vmem_shared>>
      tpu.wait_indirect_dma semaphore(%arg13 : memref<!tpu.dma_semaphore, #tpu.memory_space<semaphore_mem>>) src(%dma_wait3A_122 : memref<128x64xf32, #tpu.memory_space<vmem>>) dst(%dma_wait3A_128 : memref<10240x64xf32, #tpu.memory_space<vmem_shared>>)
      %add3A_129 = arith.constant 0 : i32
      %add3A_130 = arith.addi %add3A_115, %add3A_129 : i32
      %dma_start3A_131 = arith.constant 0 : i32
      %dma_start3A_132 = arith.constant 0 : i32
      %dma_start3A_133 = arith.constant 0 : i32
      %dma_start3A_134 = tpu.memref_slice %arg9[%dma_start3A_131, %dma_start3A_132, %dma_start3A_133] : memref<2x128x64xf32, #tpu.memory_space<vmem>> -> memref<1x128x64xf32, #tpu.memory_space<vmem>>
      %dma_start3A_135 = tpu.memref_squeeze %dma_start3A_134 : memref<1x128x64xf32, #tpu.memory_space<vmem>> -> memref<128x64xf32, #tpu.memory_space<vmem>>
      %dma_start3A_136 = arith.constant 0 : i32
      %dma_start3A_137 = tpu.memref_slice %arg7[%add3A_130, %dma_start3A_136] : memref<82x128xi32, #tpu.memory_space<vmem>> -> memref<1x128xi32, #tpu.memory_space<vmem>>
      %dma_start3A_138 = tpu.memref_squeeze %dma_start3A_137 : memref<1x128xi32, #tpu.memory_space<vmem>> -> memref<128xi32, #tpu.memory_space<vmem>>
      %dma_start3A_139 = arith.constant 0 : i32
      %dma_start3A_140 = arith.constant 0 : i32
      %dma_start3A_141 = tpu.memref_slice %arg4[%dma_start3A_139, %dma_start3A_140] : memref<10240x64xf32, #tpu.memory_space<hbm>> -> memref<10240x64xf32, #tpu.memory_space<hbm>>
      tpu.enqueue_indirect_dma source(%dma_start3A_141 : memref<10240x64xf32, #tpu.memory_space<hbm>>) target(%dma_start3A_135 : memref<128x64xf32, #tpu.memory_space<vmem>>) offsets(%dma_start3A_138 : memref<128xi32, #tpu.memory_space<vmem>>) semaphore(%arg11 : memref<!tpu.dma_semaphore, #tpu.memory_space<semaphore_mem>>)
      %add3A_142 = arith.constant 1 : i32
      %add3A_143 = arith.addi %mul3A_61, %add3A_142 : i32
      %dma_wait3A_144 = arith.constant 1 : i32
      %dma_wait3A_145 = arith.constant 0 : i32
      %dma_wait3A_146 = arith.constant 0 : i32
      %dma_wait3A_147 = tpu.memref_slice %arg9[%dma_wait3A_144, %dma_wait3A_145, %dma_wait3A_146] : memref<2x128x64xf32, #tpu.memory_space<vmem>> -> memref<1x128x64xf32, #tpu.memory_space<vmem>>
      %dma_wait3A_148 = tpu.memref_squeeze %dma_wait3A_147 : memref<1x128x64xf32, #tpu.memory_space<vmem>> -> memref<128x64xf32, #tpu.memory_space<vmem>>
      %dma_wait3A_149 = arith.constant 0 : i32
      %dma_wait3A_150 = tpu.memref_slice %arg8[%add3A_143, %dma_wait3A_149] : memref<82x128xi32, #tpu.memory_space<vmem>> -> memref<1x128xi32, #tpu.memory_space<vmem>>
      %dma_wait3A_151 = tpu.memref_squeeze %dma_wait3A_150 : memref<1x128xi32, #tpu.memory_space<vmem>> -> memref<128xi32, #tpu.memory_space<vmem>>
      %dma_wait3A_152 = arith.constant 0 : i32
      %dma_wait3A_153 = arith.constant 0 : i32
      %dma_wait3A_154 = tpu.memref_slice %arg10[%dma_wait3A_152, %dma_wait3A_153] : memref<10240x64xf32, #tpu.memory_space<vmem_shared>> -> memref<10240x64xf32, #tpu.memory_space<vmem_shared>>
      tpu.wait_indirect_dma semaphore(%arg14 : memref<!tpu.dma_semaphore, #tpu.memory_space<semaphore_mem>>) src(%dma_wait3A_148 : memref<128x64xf32, #tpu.memory_space<vmem>>) dst(%dma_wait3A_154 : memref<10240x64xf32, #tpu.memory_space<vmem_shared>>)
      %add3A_155 = arith.constant 1 : i32
      %add3A_156 = arith.addi %add3A_115, %add3A_155 : i32
      %dma_start3A_157 = arith.constant 1 : i32
      %dma_start3A_158 = arith.constant 0 : i32
      %dma_start3A_159 = arith.constant 0 : i32
      %dma_start3A_160 = tpu.memref_slice %arg9[%dma_start3A_157, %dma_start3A_158, %dma_start3A_159] : memref<2x128x64xf32, #tpu.memory_space<vmem>> -> memref<1x128x64xf32, #tpu.memory_space<vmem>>
      %dma_start3A_161 = tpu.memref_squeeze %dma_start3A_160 : memref<1x128x64xf32, #tpu.memory_space<vmem>> -> memref<128x64xf32, #tpu.memory_space<vmem>>
      %dma_start3A_162 = arith.constant 0 : i32
      %dma_start3A_163 = tpu.memref_slice %arg7[%add3A_156, %dma_start3A_162] : memref<82x128xi32, #tpu.memory_space<vmem>> -> memref<1x128xi32, #tpu.memory_space<vmem>>
      %dma_start3A_164 = tpu.memref_squeeze %dma_start3A_163 : memref<1x128xi32, #tpu.memory_space<vmem>> -> memref<128xi32, #tpu.memory_space<vmem>>
      %dma_start3A_165 = arith.constant 0 : i32
      %dma_start3A_166 = arith.constant 0 : i32
      %dma_start3A_167 = tpu.memref_slice %arg4[%dma_start3A_165, %dma_start3A_166] : memref<10240x64xf32, #tpu.memory_space<hbm>> -> memref<10240x64xf32, #tpu.memory_space<hbm>>
      tpu.enqueue_indirect_dma source(%dma_start3A_167 : memref<10240x64xf32, #tpu.memory_space<hbm>>) target(%dma_start3A_161 : memref<128x64xf32, #tpu.memory_space<vmem>>) offsets(%dma_start3A_164 : memref<128xi32, #tpu.memory_space<vmem>>) semaphore(%arg12 : memref<!tpu.dma_semaphore, #tpu.memory_space<semaphore_mem>>)
    }
    %scan3A_30 = arith.constant 40 : i32
    %dma_wait3A = arith.constant 0 : i32
    %dma_wait3A_31 = arith.constant 0 : i32
    %dma_wait3A_32 = arith.constant 0 : i32
    %dma_wait3A_33 = arith.constant 0 : i32
    %dma_wait3A_34 = tpu.memref_slice %arg9[%dma_wait3A_31, %dma_wait3A_32, %dma_wait3A_33] : memref<2x128x64xf32, #tpu.memory_space<vmem>> -> memref<1x128x64xf32, #tpu.memory_space<vmem>>
    %dma_wait3A_35 = tpu.memref_squeeze %dma_wait3A_34 : memref<1x128x64xf32, #tpu.memory_space<vmem>> -> memref<128x64xf32, #tpu.memory_space<vmem>>
    %dma_wait3A_36 = arith.constant 0 : i32
    %dma_wait3A_37 = tpu.memref_slice %arg7[%dma_wait3A, %dma_wait3A_36] : memref<82x128xi32, #tpu.memory_space<vmem>> -> memref<1x128xi32, #tpu.memory_space<vmem>>
    %dma_wait3A_38 = tpu.memref_squeeze %dma_wait3A_37 : memref<1x128xi32, #tpu.memory_space<vmem>> -> memref<128xi32, #tpu.memory_space<vmem>>
    %dma_wait3A_39 = arith.constant 0 : i32
    %dma_wait3A_40 = arith.constant 0 : i32
    %dma_wait3A_41 = tpu.memref_slice %arg4[%dma_wait3A_39, %dma_wait3A_40] : memref<10240x64xf32, #tpu.memory_space<hbm>> -> memref<10240x64xf32, #tpu.memory_space<hbm>>
    tpu.wait_indirect_dma semaphore(%arg11 : memref<!tpu.dma_semaphore, #tpu.memory_space<semaphore_mem>>) src(%dma_wait3A_41 : memref<10240x64xf32, #tpu.memory_space<hbm>>) dst(%dma_wait3A_35 : memref<128x64xf32, #tpu.memory_space<vmem>>)
    %dma_wait3A_42 = arith.constant 1 : i32
    %dma_wait3A_43 = arith.constant 1 : i32
    %dma_wait3A_44 = arith.constant 0 : i32
    %dma_wait3A_45 = arith.constant 0 : i32
    %dma_wait3A_46 = tpu.memref_slice %arg9[%dma_wait3A_43, %dma_wait3A_44, %dma_wait3A_45] : memref<2x128x64xf32, #tpu.memory_space<vmem>> -> memref<1x128x64xf32, #tpu.memory_space<vmem>>
    %dma_wait3A_47 = tpu.memref_squeeze %dma_wait3A_46 : memref<1x128x64xf32, #tpu.memory_space<vmem>> -> memref<128x64xf32, #tpu.memory_space<vmem>>
    %dma_wait3A_48 = arith.constant 0 : i32
    %dma_wait3A_49 = tpu.memref_slice %arg7[%dma_wait3A_42, %dma_wait3A_48] : memref<82x128xi32, #tpu.memory_space<vmem>> -> memref<1x128xi32, #tpu.memory_space<vmem>>
    %dma_wait3A_50 = tpu.memref_squeeze %dma_wait3A_49 : memref<1x128xi32, #tpu.memory_space<vmem>> -> memref<128xi32, #tpu.memory_space<vmem>>
    %dma_wait3A_51 = arith.constant 0 : i32
    %dma_wait3A_52 = arith.constant 0 : i32
    %dma_wait3A_53 = tpu.memref_slice %arg4[%dma_wait3A_51, %dma_wait3A_52] : memref<10240x64xf32, #tpu.memory_space<hbm>> -> memref<10240x64xf32, #tpu.memory_space<hbm>>
    tpu.wait_indirect_dma semaphore(%arg12 : memref<!tpu.dma_semaphore, #tpu.memory_space<semaphore_mem>>) src(%dma_wait3A_53 : memref<10240x64xf32, #tpu.memory_space<hbm>>) dst(%dma_wait3A_47 : memref<128x64xf32, #tpu.memory_space<vmem>>)
    %barrier3A_54 = arith.constant 0 : index
    tpu.barrier barrier_id(%barrier3A_54)
    %mul3A_55 = arith.constant 320 : i32
    %mul3A_56 = arith.muli %arg1, %mul3A_55 : i32
    %mul3A_57 = arith.constant 320 : i32
    %mul3A_58 = arith.muli %arg1, %mul3A_57 : i32
    "tpu.region"() ({
      %run_scoped3A = tpu.sem_alloc : memref<!tpu.dma_semaphore, #tpu.memory_space<semaphore_mem>>
      %dma_start3A_59 = arith.constant 0 : i32
      %dma_start3A_60 = tpu.memref_slice %arg6[%arg0, %mul3A_58, %dma_start3A_59] : memref<2x10240x64xf32, #tpu.memory_space<hbm>> -> memref<1x320x64xf32, #tpu.memory_space<hbm>>
      %dma_start3A_61 = tpu.memref_squeeze %dma_start3A_60 : memref<1x320x64xf32, #tpu.memory_space<hbm>> -> memref<320x64xf32, #tpu.memory_space<hbm>>
      %dma_start3A_62 = arith.constant 0 : i32
      %dma_start3A_63 = tpu.memref_slice %arg10[%mul3A_56, %dma_start3A_62] : memref<10240x64xf32, #tpu.memory_space<vmem_shared>> -> memref<320x64xf32, #tpu.memory_space<vmem_shared>>
      tpu.enqueue_dma source(%dma_start3A_63 : memref<320x64xf32, #tpu.memory_space<vmem_shared>>) target(%dma_start3A_61 : memref<320x64xf32, #tpu.memory_space<hbm>>) target_semaphore(%run_scoped3A : memref<!tpu.dma_semaphore, #tpu.memory_space<semaphore_mem>>)
      %dma_wait3A_64 = arith.constant 0 : i32
      %dma_wait3A_65 = tpu.memref_slice %arg6[%arg0, %mul3A_58, %dma_wait3A_64] : memref<2x10240x64xf32, #tpu.memory_space<hbm>> -> memref<1x320x64xf32, #tpu.memory_space<hbm>>
      %dma_wait3A_66 = tpu.memref_squeeze %dma_wait3A_65 : memref<1x320x64xf32, #tpu.memory_space<hbm>> -> memref<320x64xf32, #tpu.memory_space<hbm>>
      %dma_wait3A_67 = arith.constant 0 : i32
      %dma_wait3A_68 = tpu.memref_slice %arg10[%mul3A_56, %dma_wait3A_67] : memref<10240x64xf32, #tpu.memory_space<vmem_shared>> -> memref<320x64xf32, #tpu.memory_space<vmem_shared>>
      tpu.wait_dma2 semaphore(%run_scoped3A : memref<!tpu.dma_semaphore, #tpu.memory_space<semaphore_mem>>) src(%dma_wait3A_68 : memref<320x64xf32, #tpu.memory_space<vmem_shared>>) dst(%dma_wait3A_66 : memref<320x64xf32, #tpu.memory_space<hbm>>)
      tpu.yield
    }) : () -> ()
    return
  }
}

#map = affine_map<(d0, d1) -> (0, 0, 0)>
#map1 = affine_map<(d0, d1) -> (0, 0)>
module attributes {stable_mosaic.version = 14 : i64} {
  func.func @_prop_body(%arg0: i32, %arg1: i32, %arg2: memref<32x82x128xi32, #tpu.memory_space<hbm>>, %arg3: memref<32x82x128xi32, #tpu.memory_space<hbm>>, %arg4: memref<10240x64xf32, #tpu.memory_space<hbm>>, %arg5: memref<320x64xf32, #tpu.memory_space<hbm>>, %arg6: memref<2x10240x64xf32, #tpu.memory_space<hbm>>, %arg7: memref<82x128xi32, #tpu.memory_space<vmem>>, %arg8: memref<82x128xi32, #tpu.memory_space<vmem>>, %arg9: memref<2x128x64xf32, #tpu.memory_space<vmem>>, %arg10: memref<10240x64xf32, #tpu.memory_space<vmem_shared>>, %arg11: memref<!tpu.dma_semaphore, #tpu.memory_space<semaphore_mem>>, %arg12: memref<!tpu.dma_semaphore, #tpu.memory_space<semaphore_mem>>, %arg13: memref<!tpu.dma_semaphore, #tpu.memory_space<semaphore_mem>>, %arg14: memref<!tpu.dma_semaphore, #tpu.memory_space<semaphore_mem>>) attributes {dimension_semantics = [#tpu.dimension_semantics<core_parallel>, #tpu.dimension_semantics<subcore_parallel>], iteration_bounds = array<i64: 2, 16>, scalar_prefetch = 0 : i64, scratch_operands = 8 : i64, tpu.core_type = #tpu.core_type<sc_vector_subcore>, window_params = [{transform_indices = #map}, {transform_indices = #map}, {transform_indices = #map1}, {transform_indices = #map1}, {transform_indices = #map}]} {
    %mul3A = arith.constant 16 : i32
    %mul3A_0 = arith.muli %arg0, %mul3A : i32
    %add3A = arith.addi %mul3A_0, %arg1 : i32
    %mul3A_1 = arith.constant 320 : i32
    %mul3A_2 = arith.muli %arg1, %mul3A_1 : i32
    "tpu.region"() ({
      %run_scoped3A = tpu.sem_alloc : memref<!tpu.dma_semaphore, #tpu.memory_space<semaphore_mem>>
      %dma_start3A_59 = arith.constant 0 : i32
      %dma_start3A_60 = tpu.memref_slice %arg10[%mul3A_2, %dma_start3A_59] : memref<10240x64xf32, #tpu.memory_space<vmem_shared>> -> memref<320x64xf32, #tpu.memory_space<vmem_shared>>
      tpu.enqueue_dma source(%arg5 : memref<320x64xf32, #tpu.memory_space<hbm>>) target(%dma_start3A_60 : memref<320x64xf32, #tpu.memory_space<vmem_shared>>) target_semaphore(%run_scoped3A : memref<!tpu.dma_semaphore, #tpu.memory_space<semaphore_mem>>)
      %dma_wait3A_61 = arith.constant 0 : i32
      %dma_wait3A_62 = tpu.memref_slice %arg10[%mul3A_2, %dma_wait3A_61] : memref<10240x64xf32, #tpu.memory_space<vmem_shared>> -> memref<320x64xf32, #tpu.memory_space<vmem_shared>>
      tpu.wait_dma2 semaphore(%run_scoped3A : memref<!tpu.dma_semaphore, #tpu.memory_space<semaphore_mem>>) src(%arg5 : memref<320x64xf32, #tpu.memory_space<hbm>>) dst(%dma_wait3A_62 : memref<320x64xf32, #tpu.memory_space<vmem_shared>>)
      tpu.yield
    }) : () -> ()
    "tpu.region"() ({
      %run_scoped3A = tpu.sem_alloc : memref<!tpu.dma_semaphore, #tpu.memory_space<semaphore_mem>>
      %dma_start3A_59 = arith.constant 0 : i32
      %dma_start3A_60 = arith.constant 0 : i32
      %dma_start3A_61 = tpu.memref_slice %arg2[%add3A, %dma_start3A_59, %dma_start3A_60] : memref<32x82x128xi32, #tpu.memory_space<hbm>> -> memref<1x82x128xi32, #tpu.memory_space<hbm>>
      %dma_start3A_62 = tpu.memref_squeeze %dma_start3A_61 : memref<1x82x128xi32, #tpu.memory_space<hbm>> -> memref<82x128xi32, #tpu.memory_space<hbm>>
      %dma_start3A_63 = arith.constant 0 : i32
      %dma_start3A_64 = arith.constant 0 : i32
      %dma_start3A_65 = tpu.memref_slice %arg2[%add3A, %dma_start3A_63, %dma_start3A_64] : memref<32x82x128xi32, #tpu.memory_space<hbm>> -> memref<1x82x128xi32, #tpu.memory_space<hbm>>
      %dma_start3A_66 = tpu.memref_squeeze %dma_start3A_65 : memref<1x82x128xi32, #tpu.memory_space<hbm>> -> memref<82x128xi32, #tpu.memory_space<hbm>>
      tpu.enqueue_dma source(%dma_start3A_66 : memref<82x128xi32, #tpu.memory_space<hbm>>) target(%arg7 : memref<82x128xi32, #tpu.memory_space<vmem>>) target_semaphore(%run_scoped3A : memref<!tpu.dma_semaphore, #tpu.memory_space<semaphore_mem>>)
      %dma_wait3A_67 = arith.constant 0 : i32
      %dma_wait3A_68 = arith.constant 0 : i32
      %dma_wait3A_69 = tpu.memref_slice %arg2[%add3A, %dma_wait3A_67, %dma_wait3A_68] : memref<32x82x128xi32, #tpu.memory_space<hbm>> -> memref<1x82x128xi32, #tpu.memory_space<hbm>>
      %dma_wait3A_70 = tpu.memref_squeeze %dma_wait3A_69 : memref<1x82x128xi32, #tpu.memory_space<hbm>> -> memref<82x128xi32, #tpu.memory_space<hbm>>
      %dma_wait3A_71 = arith.constant 0 : i32
      %dma_wait3A_72 = arith.constant 0 : i32
      %dma_wait3A_73 = tpu.memref_slice %arg2[%add3A, %dma_wait3A_71, %dma_wait3A_72] : memref<32x82x128xi32, #tpu.memory_space<hbm>> -> memref<1x82x128xi32, #tpu.memory_space<hbm>>
      %dma_wait3A_74 = tpu.memref_squeeze %dma_wait3A_73 : memref<1x82x128xi32, #tpu.memory_space<hbm>> -> memref<82x128xi32, #tpu.memory_space<hbm>>
      tpu.wait_dma2 semaphore(%run_scoped3A : memref<!tpu.dma_semaphore, #tpu.memory_space<semaphore_mem>>) src(%dma_wait3A_74 : memref<82x128xi32, #tpu.memory_space<hbm>>) dst(%arg7 : memref<82x128xi32, #tpu.memory_space<vmem>>)
      tpu.yield
    }) : () -> ()
    "tpu.region"() ({
      %run_scoped3A = tpu.sem_alloc : memref<!tpu.dma_semaphore, #tpu.memory_space<semaphore_mem>>
      %dma_start3A_59 = arith.constant 0 : i32
      %dma_start3A_60 = arith.constant 0 : i32
      %dma_start3A_61 = tpu.memref_slice %arg3[%add3A, %dma_start3A_59, %dma_start3A_60] : memref<32x82x128xi32, #tpu.memory_space<hbm>> -> memref<1x82x128xi32, #tpu.memory_space<hbm>>
      %dma_start3A_62 = tpu.memref_squeeze %dma_start3A_61 : memref<1x82x128xi32, #tpu.memory_space<hbm>> -> memref<82x128xi32, #tpu.memory_space<hbm>>
      %dma_start3A_63 = arith.constant 0 : i32
      %dma_start3A_64 = arith.constant 0 : i32
      %dma_start3A_65 = tpu.memref_slice %arg3[%add3A, %dma_start3A_63, %dma_start3A_64] : memref<32x82x128xi32, #tpu.memory_space<hbm>> -> memref<1x82x128xi32, #tpu.memory_space<hbm>>
      %dma_start3A_66 = tpu.memref_squeeze %dma_start3A_65 : memref<1x82x128xi32, #tpu.memory_space<hbm>> -> memref<82x128xi32, #tpu.memory_space<hbm>>
      tpu.enqueue_dma source(%dma_start3A_66 : memref<82x128xi32, #tpu.memory_space<hbm>>) target(%arg8 : memref<82x128xi32, #tpu.memory_space<vmem>>) target_semaphore(%run_scoped3A : memref<!tpu.dma_semaphore, #tpu.memory_space<semaphore_mem>>)
      %dma_wait3A_67 = arith.constant 0 : i32
      %dma_wait3A_68 = arith.constant 0 : i32
      %dma_wait3A_69 = tpu.memref_slice %arg3[%add3A, %dma_wait3A_67, %dma_wait3A_68] : memref<32x82x128xi32, #tpu.memory_space<hbm>> -> memref<1x82x128xi32, #tpu.memory_space<hbm>>
      %dma_wait3A_70 = tpu.memref_squeeze %dma_wait3A_69 : memref<1x82x128xi32, #tpu.memory_space<hbm>> -> memref<82x128xi32, #tpu.memory_space<hbm>>
      %dma_wait3A_71 = arith.constant 0 : i32
      %dma_wait3A_72 = arith.constant 0 : i32
      %dma_wait3A_73 = tpu.memref_slice %arg3[%add3A, %dma_wait3A_71, %dma_wait3A_72] : memref<32x82x128xi32, #tpu.memory_space<hbm>> -> memref<1x82x128xi32, #tpu.memory_space<hbm>>
      %dma_wait3A_74 = tpu.memref_squeeze %dma_wait3A_73 : memref<1x82x128xi32, #tpu.memory_space<hbm>> -> memref<82x128xi32, #tpu.memory_space<hbm>>
      tpu.wait_dma2 semaphore(%run_scoped3A : memref<!tpu.dma_semaphore, #tpu.memory_space<semaphore_mem>>) src(%dma_wait3A_74 : memref<82x128xi32, #tpu.memory_space<hbm>>) dst(%arg8 : memref<82x128xi32, #tpu.memory_space<vmem>>)
      tpu.yield
    }) : () -> ()
    %barrier3A = arith.constant 0 : index
    tpu.barrier barrier_id(%barrier3A)
    %dma_start3A = arith.constant 0 : i32
    %dma_start3A_3 = arith.constant 0 : i32
    %dma_start3A_4 = arith.constant 0 : i32
    %dma_start3A_5 = arith.constant 0 : i32
    %dma_start3A_6 = tpu.memref_slice %arg9[%dma_start3A_3, %dma_start3A_4, %dma_start3A_5] : memref<2x128x64xf32, #tpu.memory_space<vmem>> -> memref<1x128x64xf32, #tpu.memory_space<vmem>>
    %dma_start3A_7 = tpu.memref_squeeze %dma_start3A_6 : memref<1x128x64xf32, #tpu.memory_space<vmem>> -> memref<128x64xf32, #tpu.memory_space<vmem>>
    %dma_start3A_8 = arith.constant 0 : i32
    %dma_start3A_9 = tpu.memref_slice %arg7[%dma_start3A, %dma_start3A_8] : memref<82x128xi32, #tpu.memory_space<vmem>> -> memref<1x128xi32, #tpu.memory_space<vmem>>
    %dma_start3A_10 = tpu.memref_squeeze %dma_start3A_9 : memref<1x128xi32, #tpu.memory_space<vmem>> -> memref<128xi32, #tpu.memory_space<vmem>>
    %dma_start3A_11 = arith.constant 0 : i32
    %dma_start3A_12 = arith.constant 0 : i32
    %dma_start3A_13 = tpu.memref_slice %arg4[%dma_start3A_11, %dma_start3A_12] : memref<10240x64xf32, #tpu.memory_space<hbm>> -> memref<10240x64xf32, #tpu.memory_space<hbm>>
    tpu.enqueue_indirect_dma source(%dma_start3A_13 : memref<10240x64xf32, #tpu.memory_space<hbm>>) target(%dma_start3A_7 : memref<128x64xf32, #tpu.memory_space<vmem>>) offsets(%dma_start3A_10 : memref<128xi32, #tpu.memory_space<vmem>>) semaphore(%arg11 : memref<!tpu.dma_semaphore, #tpu.memory_space<semaphore_mem>>)
    %dma_start3A_14 = arith.constant 1 : i32
    %dma_start3A_15 = arith.constant 1 : i32
    %dma_start3A_16 = arith.constant 0 : i32
    %dma_start3A_17 = arith.constant 0 : i32
    %dma_start3A_18 = tpu.memref_slice %arg9[%dma_start3A_15, %dma_start3A_16, %dma_start3A_17] : memref<2x128x64xf32, #tpu.memory_space<vmem>> -> memref<1x128x64xf32, #tpu.memory_space<vmem>>
    %dma_start3A_19 = tpu.memref_squeeze %dma_start3A_18 : memref<1x128x64xf32, #tpu.memory_space<vmem>> -> memref<128x64xf32, #tpu.memory_space<vmem>>
    %dma_start3A_20 = arith.constant 0 : i32
    %dma_start3A_21 = tpu.memref_slice %arg7[%dma_start3A_14, %dma_start3A_20] : memref<82x128xi32, #tpu.memory_space<vmem>> -> memref<1x128xi32, #tpu.memory_space<vmem>>
    %dma_start3A_22 = tpu.memref_squeeze %dma_start3A_21 : memref<1x128xi32, #tpu.memory_space<vmem>> -> memref<128xi32, #tpu.memory_space<vmem>>
    %dma_start3A_23 = arith.constant 0 : i32
    %dma_start3A_24 = arith.constant 0 : i32
    %dma_start3A_25 = tpu.memref_slice %arg4[%dma_start3A_23, %dma_start3A_24] : memref<10240x64xf32, #tpu.memory_space<hbm>> -> memref<10240x64xf32, #tpu.memory_space<hbm>>
    tpu.enqueue_indirect_dma source(%dma_start3A_25 : memref<10240x64xf32, #tpu.memory_space<hbm>>) target(%dma_start3A_19 : memref<128x64xf32, #tpu.memory_space<vmem>>) offsets(%dma_start3A_22 : memref<128xi32, #tpu.memory_space<vmem>>) semaphore(%arg12 : memref<!tpu.dma_semaphore, #tpu.memory_space<semaphore_mem>>)
    %scan3A = arith.constant 0 : i32
    %scan3A_26 = arith.constant 0 : i32
    %scan3A_27 = arith.constant 40 : i32
    %scan3A_28 = arith.addi %scan3A_26, %scan3A_27 : i32
    %scan3A_29 = arith.constant 1 : i32
    scf.for %scan3A_59 = %scan3A_26 to %scan3A_28 step %scan3A_29  : i32 {
      %mul3A_60 = arith.constant 2 : i32
      %mul3A_61 = arith.muli %scan3A_59, %mul3A_60 : i32
      %add3A_62 = arith.constant 0 : i32
      %add3A_63 = arith.addi %mul3A_61, %add3A_62 : i32
      %dma_wait3A_64 = arith.constant 0 : i32
      %dma_wait3A_65 = arith.constant 0 : i32
      %dma_wait3A_66 = arith.constant 0 : i32
      %dma_wait3A_67 = tpu.memref_slice %arg9[%dma_wait3A_64, %dma_wait3A_65, %dma_wait3A_66] : memref<2x128x64xf32, #tpu.memory_space<vmem>> -> memref<1x128x64xf32, #tpu.memory_space<vmem>>
      %dma_wait3A_68 = tpu.memref_squeeze %dma_wait3A_67 : memref<1x128x64xf32, #tpu.memory_space<vmem>> -> memref<128x64xf32, #tpu.memory_space<vmem>>
      %dma_wait3A_69 = arith.constant 0 : i32
      %dma_wait3A_70 = tpu.memref_slice %arg7[%add3A_63, %dma_wait3A_69] : memref<82x128xi32, #tpu.memory_space<vmem>> -> memref<1x128xi32, #tpu.memory_space<vmem>>
      %dma_wait3A_71 = tpu.memref_squeeze %dma_wait3A_70 : memref<1x128xi32, #tpu.memory_space<vmem>> -> memref<128xi32, #tpu.memory_space<vmem>>
      %dma_wait3A_72 = arith.constant 0 : i32
      %dma_wait3A_73 = arith.constant 0 : i32
      %dma_wait3A_74 = tpu.memref_slice %arg4[%dma_wait3A_72, %dma_wait3A_73] : memref<10240x64xf32, #tpu.memory_space<hbm>> -> memref<10240x64xf32, #tpu.memory_space<hbm>>
      tpu.wait_indirect_dma semaphore(%arg11 : memref<!tpu.dma_semaphore, #tpu.memory_space<semaphore_mem>>) src(%dma_wait3A_74 : memref<10240x64xf32, #tpu.memory_space<hbm>>) dst(%dma_wait3A_68 : memref<128x64xf32, #tpu.memory_space<vmem>>)
      %add3A_75 = arith.constant 0 : i32
      %add3A_76 = arith.addi %mul3A_61, %add3A_75 : i32
      %dma_start3A_77 = arith.constant 0 : i32
      %dma_start3A_78 = arith.constant 0 : i32
      %dma_start3A_79 = arith.constant 0 : i32
      %dma_start3A_80 = tpu.memref_slice %arg9[%dma_start3A_77, %dma_start3A_78, %dma_start3A_79] : memref<2x128x64xf32, #tpu.memory_space<vmem>> -> memref<1x128x64xf32, #tpu.memory_space<vmem>>
      %dma_start3A_81 = tpu.memref_squeeze %dma_start3A_80 : memref<1x128x64xf32, #tpu.memory_space<vmem>> -> memref<128x64xf32, #tpu.memory_space<vmem>>
      %dma_start3A_82 = arith.constant 0 : i32
      %dma_start3A_83 = tpu.memref_slice %arg8[%add3A_76, %dma_start3A_82] : memref<82x128xi32, #tpu.memory_space<vmem>> -> memref<1x128xi32, #tpu.memory_space<vmem>>
      %dma_start3A_84 = tpu.memref_squeeze %dma_start3A_83 : memref<1x128xi32, #tpu.memory_space<vmem>> -> memref<128xi32, #tpu.memory_space<vmem>>
      %dma_start3A_85 = arith.constant 0 : i32
      %dma_start3A_86 = arith.constant 0 : i32
      %dma_start3A_87 = tpu.memref_slice %arg10[%dma_start3A_85, %dma_start3A_86] : memref<10240x64xf32, #tpu.memory_space<vmem_shared>> -> memref<10240x64xf32, #tpu.memory_space<vmem_shared>>
      tpu.enqueue_indirect_dma source(%dma_start3A_81 : memref<128x64xf32, #tpu.memory_space<vmem>>) target(%dma_start3A_87 : memref<10240x64xf32, #tpu.memory_space<vmem_shared>>) offsets(%dma_start3A_84 : memref<128xi32, #tpu.memory_space<vmem>>) semaphore(%arg13 : memref<!tpu.dma_semaphore, #tpu.memory_space<semaphore_mem>>) {add = true}
      %add3A_88 = arith.constant 1 : i32
      %add3A_89 = arith.addi %mul3A_61, %add3A_88 : i32
      %dma_wait3A_90 = arith.constant 1 : i32
      %dma_wait3A_91 = arith.constant 0 : i32
      %dma_wait3A_92 = arith.constant 0 : i32
      %dma_wait3A_93 = tpu.memref_slice %arg9[%dma_wait3A_90, %dma_wait3A_91, %dma_wait3A_92] : memref<2x128x64xf32, #tpu.memory_space<vmem>> -> memref<1x128x64xf32, #tpu.memory_space<vmem>>
      %dma_wait3A_94 = tpu.memref_squeeze %dma_wait3A_93 : memref<1x128x64xf32, #tpu.memory_space<vmem>> -> memref<128x64xf32, #tpu.memory_space<vmem>>
      %dma_wait3A_95 = arith.constant 0 : i32
      %dma_wait3A_96 = tpu.memref_slice %arg7[%add3A_89, %dma_wait3A_95] : memref<82x128xi32, #tpu.memory_space<vmem>> -> memref<1x128xi32, #tpu.memory_space<vmem>>
      %dma_wait3A_97 = tpu.memref_squeeze %dma_wait3A_96 : memref<1x128xi32, #tpu.memory_space<vmem>> -> memref<128xi32, #tpu.memory_space<vmem>>
      %dma_wait3A_98 = arith.constant 0 : i32
      %dma_wait3A_99 = arith.constant 0 : i32
      %dma_wait3A_100 = tpu.memref_slice %arg4[%dma_wait3A_98, %dma_wait3A_99] : memref<10240x64xf32, #tpu.memory_space<hbm>> -> memref<10240x64xf32, #tpu.memory_space<hbm>>
      tpu.wait_indirect_dma semaphore(%arg12 : memref<!tpu.dma_semaphore, #tpu.memory_space<semaphore_mem>>) src(%dma_wait3A_100 : memref<10240x64xf32, #tpu.memory_space<hbm>>) dst(%dma_wait3A_94 : memref<128x64xf32, #tpu.memory_space<vmem>>)
      %add3A_101 = arith.constant 1 : i32
      %add3A_102 = arith.addi %mul3A_61, %add3A_101 : i32
      %dma_start3A_103 = arith.constant 1 : i32
      %dma_start3A_104 = arith.constant 0 : i32
      %dma_start3A_105 = arith.constant 0 : i32
      %dma_start3A_106 = tpu.memref_slice %arg9[%dma_start3A_103, %dma_start3A_104, %dma_start3A_105] : memref<2x128x64xf32, #tpu.memory_space<vmem>> -> memref<1x128x64xf32, #tpu.memory_space<vmem>>
      %dma_start3A_107 = tpu.memref_squeeze %dma_start3A_106 : memref<1x128x64xf32, #tpu.memory_space<vmem>> -> memref<128x64xf32, #tpu.memory_space<vmem>>
      %dma_start3A_108 = arith.constant 0 : i32
      %dma_start3A_109 = tpu.memref_slice %arg8[%add3A_102, %dma_start3A_108] : memref<82x128xi32, #tpu.memory_space<vmem>> -> memref<1x128xi32, #tpu.memory_space<vmem>>
      %dma_start3A_110 = tpu.memref_squeeze %dma_start3A_109 : memref<1x128xi32, #tpu.memory_space<vmem>> -> memref<128xi32, #tpu.memory_space<vmem>>
      %dma_start3A_111 = arith.constant 0 : i32
      %dma_start3A_112 = arith.constant 0 : i32
      %dma_start3A_113 = tpu.memref_slice %arg10[%dma_start3A_111, %dma_start3A_112] : memref<10240x64xf32, #tpu.memory_space<vmem_shared>> -> memref<10240x64xf32, #tpu.memory_space<vmem_shared>>
      tpu.enqueue_indirect_dma source(%dma_start3A_107 : memref<128x64xf32, #tpu.memory_space<vmem>>) target(%dma_start3A_113 : memref<10240x64xf32, #tpu.memory_space<vmem_shared>>) offsets(%dma_start3A_110 : memref<128xi32, #tpu.memory_space<vmem>>) semaphore(%arg14 : memref<!tpu.dma_semaphore, #tpu.memory_space<semaphore_mem>>) {add = true}
      %add3A_114 = arith.constant 2 : i32
      %add3A_115 = arith.addi %mul3A_61, %add3A_114 : i32
      %add3A_116 = arith.constant 0 : i32
      %add3A_117 = arith.addi %mul3A_61, %add3A_116 : i32
      %dma_wait3A_118 = arith.constant 0 : i32
      %dma_wait3A_119 = arith.constant 0 : i32
      %dma_wait3A_120 = arith.constant 0 : i32
      %dma_wait3A_121 = tpu.memref_slice %arg9[%dma_wait3A_118, %dma_wait3A_119, %dma_wait3A_120] : memref<2x128x64xf32, #tpu.memory_space<vmem>> -> memref<1x128x64xf32, #tpu.memory_space<vmem>>
      %dma_wait3A_122 = tpu.memref_squeeze %dma_wait3A_121 : memref<1x128x64xf32, #tpu.memory_space<vmem>> -> memref<128x64xf32, #tpu.memory_space<vmem>>
      %dma_wait3A_123 = arith.constant 0 : i32
      %dma_wait3A_124 = tpu.memref_slice %arg8[%add3A_117, %dma_wait3A_123] : memref<82x128xi32, #tpu.memory_space<vmem>> -> memref<1x128xi32, #tpu.memory_space<vmem>>
      %dma_wait3A_125 = tpu.memref_squeeze %dma_wait3A_124 : memref<1x128xi32, #tpu.memory_space<vmem>> -> memref<128xi32, #tpu.memory_space<vmem>>
      %dma_wait3A_126 = arith.constant 0 : i32
      %dma_wait3A_127 = arith.constant 0 : i32
      %dma_wait3A_128 = tpu.memref_slice %arg10[%dma_wait3A_126, %dma_wait3A_127] : memref<10240x64xf32, #tpu.memory_space<vmem_shared>> -> memref<10240x64xf32, #tpu.memory_space<vmem_shared>>
      tpu.wait_indirect_dma semaphore(%arg13 : memref<!tpu.dma_semaphore, #tpu.memory_space<semaphore_mem>>) src(%dma_wait3A_122 : memref<128x64xf32, #tpu.memory_space<vmem>>) dst(%dma_wait3A_128 : memref<10240x64xf32, #tpu.memory_space<vmem_shared>>)
      %add3A_129 = arith.constant 0 : i32
      %add3A_130 = arith.addi %add3A_115, %add3A_129 : i32
      %dma_start3A_131 = arith.constant 0 : i32
      %dma_start3A_132 = arith.constant 0 : i32
      %dma_start3A_133 = arith.constant 0 : i32
      %dma_start3A_134 = tpu.memref_slice %arg9[%dma_start3A_131, %dma_start3A_132, %dma_start3A_133] : memref<2x128x64xf32, #tpu.memory_space<vmem>> -> memref<1x128x64xf32, #tpu.memory_space<vmem>>
      %dma_start3A_135 = tpu.memref_squeeze %dma_start3A_134 : memref<1x128x64xf32, #tpu.memory_space<vmem>> -> memref<128x64xf32, #tpu.memory_space<vmem>>
      %dma_start3A_136 = arith.constant 0 : i32
      %dma_start3A_137 = tpu.memref_slice %arg7[%add3A_130, %dma_start3A_136] : memref<82x128xi32, #tpu.memory_space<vmem>> -> memref<1x128xi32, #tpu.memory_space<vmem>>
      %dma_start3A_138 = tpu.memref_squeeze %dma_start3A_137 : memref<1x128xi32, #tpu.memory_space<vmem>> -> memref<128xi32, #tpu.memory_space<vmem>>
      %dma_start3A_139 = arith.constant 0 : i32
      %dma_start3A_140 = arith.constant 0 : i32
      %dma_start3A_141 = tpu.memref_slice %arg4[%dma_start3A_139, %dma_start3A_140] : memref<10240x64xf32, #tpu.memory_space<hbm>> -> memref<10240x64xf32, #tpu.memory_space<hbm>>
      tpu.enqueue_indirect_dma source(%dma_start3A_141 : memref<10240x64xf32, #tpu.memory_space<hbm>>) target(%dma_start3A_135 : memref<128x64xf32, #tpu.memory_space<vmem>>) offsets(%dma_start3A_138 : memref<128xi32, #tpu.memory_space<vmem>>) semaphore(%arg11 : memref<!tpu.dma_semaphore, #tpu.memory_space<semaphore_mem>>)
      %add3A_142 = arith.constant 1 : i32
      %add3A_143 = arith.addi %mul3A_61, %add3A_142 : i32
      %dma_wait3A_144 = arith.constant 1 : i32
      %dma_wait3A_145 = arith.constant 0 : i32
      %dma_wait3A_146 = arith.constant 0 : i32
      %dma_wait3A_147 = tpu.memref_slice %arg9[%dma_wait3A_144, %dma_wait3A_145, %dma_wait3A_146] : memref<2x128x64xf32, #tpu.memory_space<vmem>> -> memref<1x128x64xf32, #tpu.memory_space<vmem>>
      %dma_wait3A_148 = tpu.memref_squeeze %dma_wait3A_147 : memref<1x128x64xf32, #tpu.memory_space<vmem>> -> memref<128x64xf32, #tpu.memory_space<vmem>>
      %dma_wait3A_149 = arith.constant 0 : i32
      %dma_wait3A_150 = tpu.memref_slice %arg8[%add3A_143, %dma_wait3A_149] : memref<82x128xi32, #tpu.memory_space<vmem>> -> memref<1x128xi32, #tpu.memory_space<vmem>>
      %dma_wait3A_151 = tpu.memref_squeeze %dma_wait3A_150 : memref<1x128xi32, #tpu.memory_space<vmem>> -> memref<128xi32, #tpu.memory_space<vmem>>
      %dma_wait3A_152 = arith.constant 0 : i32
      %dma_wait3A_153 = arith.constant 0 : i32
      %dma_wait3A_154 = tpu.memref_slice %arg10[%dma_wait3A_152, %dma_wait3A_153] : memref<10240x64xf32, #tpu.memory_space<vmem_shared>> -> memref<10240x64xf32, #tpu.memory_space<vmem_shared>>
      tpu.wait_indirect_dma semaphore(%arg14 : memref<!tpu.dma_semaphore, #tpu.memory_space<semaphore_mem>>) src(%dma_wait3A_148 : memref<128x64xf32, #tpu.memory_space<vmem>>) dst(%dma_wait3A_154 : memref<10240x64xf32, #tpu.memory_space<vmem_shared>>)
      %add3A_155 = arith.constant 1 : i32
      %add3A_156 = arith.addi %add3A_115, %add3A_155 : i32
      %dma_start3A_157 = arith.constant 1 : i32
      %dma_start3A_158 = arith.constant 0 : i32
      %dma_start3A_159 = arith.constant 0 : i32
      %dma_start3A_160 = tpu.memref_slice %arg9[%dma_start3A_157, %dma_start3A_158, %dma_start3A_159] : memref<2x128x64xf32, #tpu.memory_space<vmem>> -> memref<1x128x64xf32, #tpu.memory_space<vmem>>
      %dma_start3A_161 = tpu.memref_squeeze %dma_start3A_160 : memref<1x128x64xf32, #tpu.memory_space<vmem>> -> memref<128x64xf32, #tpu.memory_space<vmem>>
      %dma_start3A_162 = arith.constant 0 : i32
      %dma_start3A_163 = tpu.memref_slice %arg7[%add3A_156, %dma_start3A_162] : memref<82x128xi32, #tpu.memory_space<vmem>> -> memref<1x128xi32, #tpu.memory_space<vmem>>
      %dma_start3A_164 = tpu.memref_squeeze %dma_start3A_163 : memref<1x128xi32, #tpu.memory_space<vmem>> -> memref<128xi32, #tpu.memory_space<vmem>>
      %dma_start3A_165 = arith.constant 0 : i32
      %dma_start3A_166 = arith.constant 0 : i32
      %dma_start3A_167 = tpu.memref_slice %arg4[%dma_start3A_165, %dma_start3A_166] : memref<10240x64xf32, #tpu.memory_space<hbm>> -> memref<10240x64xf32, #tpu.memory_space<hbm>>
      tpu.enqueue_indirect_dma source(%dma_start3A_167 : memref<10240x64xf32, #tpu.memory_space<hbm>>) target(%dma_start3A_161 : memref<128x64xf32, #tpu.memory_space<vmem>>) offsets(%dma_start3A_164 : memref<128xi32, #tpu.memory_space<vmem>>) semaphore(%arg12 : memref<!tpu.dma_semaphore, #tpu.memory_space<semaphore_mem>>)
    }
    %scan3A_30 = arith.constant 40 : i32
    %dma_wait3A = arith.constant 0 : i32
    %dma_wait3A_31 = arith.constant 0 : i32
    %dma_wait3A_32 = arith.constant 0 : i32
    %dma_wait3A_33 = arith.constant 0 : i32
    %dma_wait3A_34 = tpu.memref_slice %arg9[%dma_wait3A_31, %dma_wait3A_32, %dma_wait3A_33] : memref<2x128x64xf32, #tpu.memory_space<vmem>> -> memref<1x128x64xf32, #tpu.memory_space<vmem>>
    %dma_wait3A_35 = tpu.memref_squeeze %dma_wait3A_34 : memref<1x128x64xf32, #tpu.memory_space<vmem>> -> memref<128x64xf32, #tpu.memory_space<vmem>>
    %dma_wait3A_36 = arith.constant 0 : i32
    %dma_wait3A_37 = tpu.memref_slice %arg7[%dma_wait3A, %dma_wait3A_36] : memref<82x128xi32, #tpu.memory_space<vmem>> -> memref<1x128xi32, #tpu.memory_space<vmem>>
    %dma_wait3A_38 = tpu.memref_squeeze %dma_wait3A_37 : memref<1x128xi32, #tpu.memory_space<vmem>> -> memref<128xi32, #tpu.memory_space<vmem>>
    %dma_wait3A_39 = arith.constant 0 : i32
    %dma_wait3A_40 = arith.constant 0 : i32
    %dma_wait3A_41 = tpu.memref_slice %arg4[%dma_wait3A_39, %dma_wait3A_40] : memref<10240x64xf32, #tpu.memory_space<hbm>> -> memref<10240x64xf32, #tpu.memory_space<hbm>>
    tpu.wait_indirect_dma semaphore(%arg11 : memref<!tpu.dma_semaphore, #tpu.memory_space<semaphore_mem>>) src(%dma_wait3A_41 : memref<10240x64xf32, #tpu.memory_space<hbm>>) dst(%dma_wait3A_35 : memref<128x64xf32, #tpu.memory_space<vmem>>)
    %dma_wait3A_42 = arith.constant 1 : i32
    %dma_wait3A_43 = arith.constant 1 : i32
    %dma_wait3A_44 = arith.constant 0 : i32
    %dma_wait3A_45 = arith.constant 0 : i32
    %dma_wait3A_46 = tpu.memref_slice %arg9[%dma_wait3A_43, %dma_wait3A_44, %dma_wait3A_45] : memref<2x128x64xf32, #tpu.memory_space<vmem>> -> memref<1x128x64xf32, #tpu.memory_space<vmem>>
    %dma_wait3A_47 = tpu.memref_squeeze %dma_wait3A_46 : memref<1x128x64xf32, #tpu.memory_space<vmem>> -> memref<128x64xf32, #tpu.memory_space<vmem>>
    %dma_wait3A_48 = arith.constant 0 : i32
    %dma_wait3A_49 = tpu.memref_slice %arg7[%dma_wait3A_42, %dma_wait3A_48] : memref<82x128xi32, #tpu.memory_space<vmem>> -> memref<1x128xi32, #tpu.memory_space<vmem>>
    %dma_wait3A_50 = tpu.memref_squeeze %dma_wait3A_49 : memref<1x128xi32, #tpu.memory_space<vmem>> -> memref<128xi32, #tpu.memory_space<vmem>>
    %dma_wait3A_51 = arith.constant 0 : i32
    %dma_wait3A_52 = arith.constant 0 : i32
    %dma_wait3A_53 = tpu.memref_slice %arg4[%dma_wait3A_51, %dma_wait3A_52] : memref<10240x64xf32, #tpu.memory_space<hbm>> -> memref<10240x64xf32, #tpu.memory_space<hbm>>
    tpu.wait_indirect_dma semaphore(%arg12 : memref<!tpu.dma_semaphore, #tpu.memory_space<semaphore_mem>>) src(%dma_wait3A_53 : memref<10240x64xf32, #tpu.memory_space<hbm>>) dst(%dma_wait3A_47 : memref<128x64xf32, #tpu.memory_space<vmem>>)
    %barrier3A_54 = arith.constant 0 : index
    tpu.barrier barrier_id(%barrier3A_54)
    %mul3A_55 = arith.constant 320 : i32
    %mul3A_56 = arith.muli %arg1, %mul3A_55 : i32
    %mul3A_57 = arith.constant 320 : i32
    %mul3A_58 = arith.muli %arg1, %mul3A_57 : i32
    "tpu.region"() ({
      %run_scoped3A = tpu.sem_alloc : memref<!tpu.dma_semaphore, #tpu.memory_space<semaphore_mem>>
      %dma_start3A_59 = arith.constant 0 : i32
      %dma_start3A_60 = tpu.memref_slice %arg6[%arg0, %mul3A_58, %dma_start3A_59] : memref<2x10240x64xf32, #tpu.memory_space<hbm>> -> memref<1x320x64xf32, #tpu.memory_space<hbm>>
      %dma_start3A_61 = tpu.memref_squeeze %dma_start3A_60 : memref<1x320x64xf32, #tpu.memory_space<hbm>> -> memref<320x64xf32, #tpu.memory_space<hbm>>
      %dma_start3A_62 = arith.constant 0 : i32
      %dma_start3A_63 = tpu.memref_slice %arg10[%mul3A_56, %dma_start3A_62] : memref<10240x64xf32, #tpu.memory_space<vmem_shared>> -> memref<320x64xf32, #tpu.memory_space<vmem_shared>>
      tpu.enqueue_dma source(%dma_start3A_63 : memref<320x64xf32, #tpu.memory_space<vmem_shared>>) target(%dma_start3A_61 : memref<320x64xf32, #tpu.memory_space<hbm>>) target_semaphore(%run_scoped3A : memref<!tpu.dma_semaphore, #tpu.memory_space<semaphore_mem>>)
      %dma_wait3A_64 = arith.constant 0 : i32
      %dma_wait3A_65 = tpu.memref_slice %arg6[%arg0, %mul3A_58, %dma_wait3A_64] : memref<2x10240x64xf32, #tpu.memory_space<hbm>> -> memref<1x320x64xf32, #tpu.memory_space<hbm>>
      %dma_wait3A_66 = tpu.memref_squeeze %dma_wait3A_65 : memref<1x320x64xf32, #tpu.memory_space<hbm>> -> memref<320x64xf32, #tpu.memory_space<hbm>>
      %dma_wait3A_67 = arith.constant 0 : i32
      %dma_wait3A_68 = tpu.memref_slice %arg10[%mul3A_56, %dma_wait3A_67] : memref<10240x64xf32, #tpu.memory_space<vmem_shared>> -> memref<320x64xf32, #tpu.memory_space<vmem_shared>>
      tpu.wait_dma2 semaphore(%run_scoped3A : memref<!tpu.dma_semaphore, #tpu.memory_space<semaphore_mem>>) src(%dma_wait3A_68 : memref<320x64xf32, #tpu.memory_space<vmem_shared>>) dst(%dma_wait3A_66 : memref<320x64xf32, #tpu.memory_space<hbm>>)
      tpu.yield
    }) : () -> ()
    return
  }
}

module attributes {stable_mosaic.version = 14 : i64} {
  func.func @_pre1_body(%arg0: memref<10000x128xf32, #tpu.memory_space<vmem>>, %arg1: memref<128x64xf32, #tpu.memory_space<vmem>>, %arg2: memref<2x10240x16xf32, #tpu.memory_space<vmem>>, %arg3: memref<10240x64xf32, #tpu.memory_space<vmem>>, %arg4: memref<10240x1xf32, #tpu.memory_space<vmem>>) attributes {dimension_semantics = [], scalar_prefetch = 0 : i64, scratch_operands = 0 : i64, tpu.core_type = #tpu.core_type<tc>} {
    %get3A = arith.constant 0 : index
    %get3A_0 = arith.constant 0 : index
    %get3A_1 = arith.constant 0 : index
    %get3A_2 = vector.load %arg2[%get3A, %get3A_0, %get3A_1] : memref<2x10240x16xf32, #tpu.memory_space<vmem>>, vector<1x10240x16xf32>
    %get3A_3 = vector.shape_cast %get3A_2 : vector<1x10240x16xf32> to vector<10240x16xf32>
    %slice3A = vector.extract_strided_slice %get3A_3 {offsets = [0, 0], sizes = [10240, 1], strides = [1, 1]} : vector<10240x16xf32> to vector<10240x1xf32>
    %get3A_4 = arith.constant 1 : index
    %get3A_5 = arith.constant 0 : index
    %get3A_6 = arith.constant 0 : index
    %get3A_7 = vector.load %arg2[%get3A_4, %get3A_5, %get3A_6] : memref<2x10240x16xf32, #tpu.memory_space<vmem>>, vector<1x10240x16xf32>
    %get3A_8 = vector.shape_cast %get3A_7 : vector<1x10240x16xf32> to vector<10240x16xf32>
    %slice3A_9 = vector.extract_strided_slice %get3A_8 {offsets = [0, 0], sizes = [10240, 1], strides = [1, 1]} : vector<10240x16xf32> to vector<10240x1xf32>
    %add3A = arith.addf %slice3A, %slice3A_9 : vector<10240x1xf32>
    %add3A_10 = arith.constant 1.000000e+00 : f32
    %add3A_11 = vector.broadcast %add3A_10 : f32 to vector<10240x1xf32>
    %add3A_12 = arith.addf %add3A, %add3A_11 : vector<10240x1xf32>
    %rsqrt3A = math.rsqrt %add3A_12 : vector<10240x1xf32>
    %swap3A = arith.constant 0 : index
    %swap3A_13 = arith.constant 0 : index
    %swap3A_14 = vector.load %arg4[%swap3A, %swap3A_13] : memref<10240x1xf32, #tpu.memory_space<vmem>>, vector<10240x1xf32>
    tpu.vector_store %arg4[%swap3A, %swap3A_13], %rsqrt3A {strides = array<i32>} : memref<10240x1xf32, #tpu.memory_space<vmem>>, vector<10240x1xf32>,
    %get3A_15 = arith.constant 0 : index
    %get3A_16 = arith.constant 0 : index
    %get3A_17 = vector.load %arg0[%get3A_15, %get3A_16] : memref<10000x128xf32, #tpu.memory_space<vmem>>, vector<10000x128xf32>
    %get3A_18 = arith.constant 0 : index
    %get3A_19 = arith.constant 0 : index
    %get3A_20 = vector.load %arg1[%get3A_18, %get3A_19] : memref<128x64xf32, #tpu.memory_space<vmem>>, vector<128x64xf32>
    %dot_general3A = arith.constant dense<0.000000e+00> : vector<10000x64xf32>
    %dot_general3A_21 = tpu.matmul %get3A_17, %get3A_20, %dot_general3A {dimension_numbers = #tpu.dot_dimension_numbers<[1], [0], [0], [1], [0, 0, 1, 1], [], []>, transpose_lhs_hint = false} : vector<10000x128xf32>, vector<128x64xf32>, vector<10000x64xf32> -> vector<10000x64xf32>
    %slice3A_22 = vector.extract_strided_slice %rsqrt3A {offsets = [0, 0], sizes = [10000, 1], strides = [1, 1]} : vector<10240x1xf32> to vector<10000x1xf32>
    %mul3A = vector.broadcast %slice3A_22 : vector<10000x1xf32> to vector<10000x64xf32>
    %mul3A_23 = arith.mulf %dot_general3A_21, %mul3A : vector<10000x64xf32>
    %swap3A_24 = arith.constant 0 : index
    %swap3A_25 = arith.constant 0 : index
    %swap3A_26 = vector.load %arg3[%swap3A_24, %swap3A_25] : memref<10240x64xf32, #tpu.memory_space<vmem>>, vector<10000x64xf32>
    tpu.vector_store %arg3[%swap3A_24, %swap3A_25], %mul3A_23 {strides = array<i32>} : memref<10240x64xf32, #tpu.memory_space<vmem>>, vector<10000x64xf32>,
    %broadcast_in_dim3A = arith.constant 0.000000e+00 : f32
    %broadcast_in_dim3A_27 = vector.broadcast %broadcast_in_dim3A : f32 to vector<240x64xf32>
    %swap3A_28 = arith.constant 10000 : index
    %swap3A_29 = arith.constant 0 : index
    %swap3A_30 = vector.load %arg3[%swap3A_28, %swap3A_29] : memref<10240x64xf32, #tpu.memory_space<vmem>>, vector<240x64xf32>
    tpu.vector_store %arg3[%swap3A_28, %swap3A_29], %broadcast_in_dim3A_27 {strides = array<i32>} : memref<10240x64xf32, #tpu.memory_space<vmem>>, vector<240x64xf32>,
    return
  }
}

module attributes {stable_mosaic.version = 14 : i64} {
  func.func @_mid_body(%arg0: memref<2x10240x64xf32, #tpu.memory_space<vmem>>, %arg1: memref<10240x64xf32, #tpu.memory_space<vmem>>, %arg2: memref<10240x1xf32, #tpu.memory_space<vmem>>, %arg3: memref<1x64xf32, #tpu.memory_space<vmem>>, %arg4: memref<1x64xf32, #tpu.memory_space<vmem>>, %arg5: memref<1x64xf32, #tpu.memory_space<vmem>>, %arg6: memref<64x64xf32, #tpu.memory_space<vmem>>, %arg7: memref<10240x64xf32, #tpu.memory_space<vmem>>) attributes {dimension_semantics = [], scalar_prefetch = 0 : i64, scratch_operands = 0 : i64, tpu.core_type = #tpu.core_type<tc>} {
    %get3A = arith.constant 0 : index
    %get3A_0 = arith.constant 0 : index
    %get3A_1 = vector.load %arg2[%get3A, %get3A_0] : memref<10240x1xf32, #tpu.memory_space<vmem>>, vector<10000x1xf32>
    %get3A_2 = arith.constant 0 : index
    %get3A_3 = arith.constant 0 : index
    %get3A_4 = arith.constant 0 : index
    %get3A_5 = vector.load %arg0[%get3A_2, %get3A_3, %get3A_4] : memref<2x10240x64xf32, #tpu.memory_space<vmem>>, vector<1x10240x64xf32>
    %get3A_6 = vector.shape_cast %get3A_5 : vector<1x10240x64xf32> to vector<10240x64xf32>
    %slice3A = vector.extract_strided_slice %get3A_6 {offsets = [0, 0], sizes = [10000, 64], strides = [1, 1]} : vector<10240x64xf32> to vector<10000x64xf32>
    %get3A_7 = arith.constant 1 : index
    %get3A_8 = arith.constant 0 : index
    %get3A_9 = arith.constant 0 : index
    %get3A_10 = vector.load %arg0[%get3A_7, %get3A_8, %get3A_9] : memref<2x10240x64xf32, #tpu.memory_space<vmem>>, vector<1x10240x64xf32>
    %get3A_11 = vector.shape_cast %get3A_10 : vector<1x10240x64xf32> to vector<10240x64xf32>
    %slice3A_12 = vector.extract_strided_slice %get3A_11 {offsets = [0, 0], sizes = [10000, 64], strides = [1, 1]} : vector<10240x64xf32> to vector<10000x64xf32>
    %add3A = arith.addf %slice3A, %slice3A_12 : vector<10000x64xf32>
    %get3A_13 = arith.constant 0 : index
    %get3A_14 = arith.constant 0 : index
    %get3A_15 = vector.load %arg1[%get3A_13, %get3A_14] : memref<10240x64xf32, #tpu.memory_space<vmem>>, vector<10000x64xf32>
    %add3A_16 = arith.addf %add3A, %get3A_15 : vector<10000x64xf32>
    %mul3A = vector.broadcast %get3A_1 : vector<10000x1xf32> to vector<10000x64xf32>
    %mul3A_17 = arith.mulf %add3A_16, %mul3A : vector<10000x64xf32>
    %get3A_18 = arith.constant 0 : index
    %get3A_19 = arith.constant 0 : index
    %get3A_20 = vector.load %arg3[%get3A_18, %get3A_19] : memref<1x64xf32, #tpu.memory_space<vmem>>, vector<1x64xf32>
    %add3A_21 = vector.broadcast %get3A_20 : vector<1x64xf32> to vector<10000x64xf32>
    %add3A_22 = arith.addf %mul3A_17, %add3A_21 : vector<10000x64xf32>
    %reduce_sum3A = arith.constant dense<0.000000e+00> : vector<64xf32>
    %reduce_sum3A_23 = vector.multi_reduction <add>, %add3A_22, %reduce_sum3A [0] : vector<10000x64xf32> to vector<64xf32>
    %broadcast_in_dim3A = vector.shape_cast %reduce_sum3A_23 : vector<64xf32> to vector<1x64xf32>
    %div3A = arith.constant 1.000000e+04 : f32
    %div3A_24 = vector.broadcast %div3A : f32 to vector<1x64xf32>
    %div3A_25 = arith.divf %broadcast_in_dim3A, %div3A_24 : vector<1x64xf32>
    %sub3A = vector.broadcast %div3A_25 : vector<1x64xf32> to vector<10000x64xf32>
    %sub3A_26 = arith.subf %add3A_22, %sub3A : vector<10000x64xf32>
    %sub3A_27 = vector.broadcast %div3A_25 : vector<1x64xf32> to vector<10000x64xf32>
    %sub3A_28 = arith.subf %add3A_22, %sub3A_27 : vector<10000x64xf32>
    %mul3A_29 = arith.mulf %sub3A_26, %sub3A_28 : vector<10000x64xf32>
    %reduce_sum3A_30 = arith.constant dense<0.000000e+00> : vector<64xf32>
    %reduce_sum3A_31 = vector.multi_reduction <add>, %mul3A_29, %reduce_sum3A_30 [0] : vector<10000x64xf32> to vector<64xf32>
    %broadcast_in_dim3A_32 = vector.shape_cast %reduce_sum3A_31 : vector<64xf32> to vector<1x64xf32>
    %div3A_33 = arith.constant 1.000000e+04 : f32
    %div3A_34 = vector.broadcast %div3A_33 : f32 to vector<1x64xf32>
    %div3A_35 = arith.divf %broadcast_in_dim3A_32, %div3A_34 : vector<1x64xf32>
    %get3A_36 = arith.constant 0 : index
    %get3A_37 = arith.constant 0 : index
    %get3A_38 = vector.load %arg4[%get3A_36, %get3A_37] : memref<1x64xf32, #tpu.memory_space<vmem>>, vector<1x64xf32>
    %sub3A_39 = vector.broadcast %div3A_25 : vector<1x64xf32> to vector<10000x64xf32>
    %sub3A_40 = arith.subf %add3A_22, %sub3A_39 : vector<10000x64xf32>
    %mul3A_41 = vector.broadcast %get3A_38 : vector<1x64xf32> to vector<10000x64xf32>
    %mul3A_42 = arith.mulf %mul3A_41, %sub3A_40 : vector<10000x64xf32>
    %add3A_43 = arith.constant 9.99999974E-6 : f32
    %add3A_44 = vector.broadcast %add3A_43 : f32 to vector<1x64xf32>
    %add3A_45 = arith.addf %div3A_35, %add3A_44 : vector<1x64xf32>
    %sqrt3A = math.sqrt %add3A_45 : vector<1x64xf32>
    %div3A_46 = vector.broadcast %sqrt3A : vector<1x64xf32> to vector<10000x64xf32>
    %div3A_47 = arith.divf %mul3A_42, %div3A_46 : vector<10000x64xf32>
    %get3A_48 = arith.constant 0 : index
    %get3A_49 = arith.constant 0 : index
    %get3A_50 = vector.load %arg5[%get3A_48, %get3A_49] : memref<1x64xf32, #tpu.memory_space<vmem>>, vector<1x64xf32>
    %add3A_51 = vector.broadcast %get3A_50 : vector<1x64xf32> to vector<10000x64xf32>
    %add3A_52 = arith.addf %div3A_47, %add3A_51 : vector<10000x64xf32>
    %max3A = arith.constant 0.000000e+00 : f32
    %max3A_53 = vector.broadcast %max3A : f32 to vector<10000x64xf32>
    %max3A_54 = arith.maximumf %add3A_52, %max3A_53 : vector<10000x64xf32>
    %get3A_55 = arith.constant 0 : index
    %get3A_56 = arith.constant 0 : index
    %get3A_57 = vector.load %arg6[%get3A_55, %get3A_56] : memref<64x64xf32, #tpu.memory_space<vmem>>, vector<64x64xf32>
    %dot_general3A = arith.constant dense<0.000000e+00> : vector<10000x64xf32>
    %dot_general3A_58 = tpu.matmul %max3A_54, %get3A_57, %dot_general3A {dimension_numbers = #tpu.dot_dimension_numbers<[1], [0], [0], [1], [0, 0, 1, 1], [], []>, transpose_lhs_hint = false} : vector<10000x64xf32>, vector<64x64xf32>, vector<10000x64xf32> -> vector<10000x64xf32>
    %mul3A_59 = vector.broadcast %get3A_1 : vector<10000x1xf32> to vector<10000x64xf32>
    %mul3A_60 = arith.mulf %dot_general3A_58, %mul3A_59 : vector<10000x64xf32>
    %swap3A = arith.constant 0 : index
    %swap3A_61 = arith.constant 0 : index
    %swap3A_62 = vector.load %arg7[%swap3A, %swap3A_61] : memref<10240x64xf32, #tpu.memory_space<vmem>>, vector<10000x64xf32>
    tpu.vector_store %arg7[%swap3A, %swap3A_61], %mul3A_60 {strides = array<i32>} : memref<10240x64xf32, #tpu.memory_space<vmem>>, vector<10000x64xf32>,
    %broadcast_in_dim3A_63 = arith.constant 0.000000e+00 : f32
    %broadcast_in_dim3A_64 = vector.broadcast %broadcast_in_dim3A_63 : f32 to vector<240x64xf32>
    %swap3A_65 = arith.constant 10000 : index
    %swap3A_66 = arith.constant 0 : index
    %swap3A_67 = vector.load %arg7[%swap3A_65, %swap3A_66] : memref<10240x64xf32, #tpu.memory_space<vmem>>, vector<240x64xf32>
    tpu.vector_store %arg7[%swap3A_65, %swap3A_66], %broadcast_in_dim3A_64 {strides = array<i32>} : memref<10240x64xf32, #tpu.memory_space<vmem>>, vector<240x64xf32>,
    return
  }
}

module attributes {stable_mosaic.version = 14 : i64} {
  func.func @_fin_body(%arg0: memref<2x10240x64xf32, #tpu.memory_space<vmem>>, %arg1: memref<10240x64xf32, #tpu.memory_space<vmem>>, %arg2: memref<10240x1xf32, #tpu.memory_space<vmem>>, %arg3: memref<1x64xf32, #tpu.memory_space<vmem>>, %arg4: memref<10000x64xf32, #tpu.memory_space<vmem>>) attributes {dimension_semantics = [], scalar_prefetch = 0 : i64, scratch_operands = 0 : i64, tpu.core_type = #tpu.core_type<tc>} {
    %get3A = arith.constant 0 : index
    %get3A_0 = arith.constant 0 : index
    %get3A_1 = arith.constant 0 : index
    %get3A_2 = vector.load %arg0[%get3A, %get3A_0, %get3A_1] : memref<2x10240x64xf32, #tpu.memory_space<vmem>>, vector<1x10240x64xf32>
    %get3A_3 = vector.shape_cast %get3A_2 : vector<1x10240x64xf32> to vector<10240x64xf32>
    %slice3A = vector.extract_strided_slice %get3A_3 {offsets = [0, 0], sizes = [10000, 64], strides = [1, 1]} : vector<10240x64xf32> to vector<10000x64xf32>
    %get3A_4 = arith.constant 1 : index
    %get3A_5 = arith.constant 0 : index
    %get3A_6 = arith.constant 0 : index
    %get3A_7 = vector.load %arg0[%get3A_4, %get3A_5, %get3A_6] : memref<2x10240x64xf32, #tpu.memory_space<vmem>>, vector<1x10240x64xf32>
    %get3A_8 = vector.shape_cast %get3A_7 : vector<1x10240x64xf32> to vector<10240x64xf32>
    %slice3A_9 = vector.extract_strided_slice %get3A_8 {offsets = [0, 0], sizes = [10000, 64], strides = [1, 1]} : vector<10240x64xf32> to vector<10000x64xf32>
    %add3A = arith.addf %slice3A, %slice3A_9 : vector<10000x64xf32>
    %get3A_10 = arith.constant 0 : index
    %get3A_11 = arith.constant 0 : index
    %get3A_12 = vector.load %arg1[%get3A_10, %get3A_11] : memref<10240x64xf32, #tpu.memory_space<vmem>>, vector<10000x64xf32>
    %add3A_13 = arith.addf %add3A, %get3A_12 : vector<10000x64xf32>
    %get3A_14 = arith.constant 0 : index
    %get3A_15 = arith.constant 0 : index
    %get3A_16 = vector.load %arg2[%get3A_14, %get3A_15] : memref<10240x1xf32, #tpu.memory_space<vmem>>, vector<10000x1xf32>
    %mul3A = vector.broadcast %get3A_16 : vector<10000x1xf32> to vector<10000x64xf32>
    %mul3A_17 = arith.mulf %add3A_13, %mul3A : vector<10000x64xf32>
    %get3A_18 = arith.constant 0 : index
    %get3A_19 = arith.constant 0 : index
    %get3A_20 = vector.load %arg3[%get3A_18, %get3A_19] : memref<1x64xf32, #tpu.memory_space<vmem>>, vector<1x64xf32>
    %add3A_21 = vector.broadcast %get3A_20 : vector<1x64xf32> to vector<10000x64xf32>
    %add3A_22 = arith.addf %mul3A_17, %add3A_21 : vector<10000x64xf32>
    %swap3A = arith.constant 0 : index
    %swap3A_23 = arith.constant 0 : index
    %swap3A_24 = vector.load %arg4[%swap3A, %swap3A_23] : memref<10000x64xf32, #tpu.memory_space<vmem>>, vector<10000x64xf32>
    tpu.vector_store %arg4[%swap3A, %swap3A_23], %add3A_22 {strides = array<i32>} : memref<10000x64xf32, #tpu.memory_space<vmem>>, vector<10000x64xf32>,
    return
  }
}

</mosaic_0001>

<sc_bundles>
// kernel: kernel.11.cloned.1.call-start
scs
__scs_entry_jumppad:
0x0: {  	(pc) =	sbr.rel $0x88, $3  }
0x1: {  	(tag) =	ssettag $0x0;
	lr =	simm.s32 $0x1  }
0x2: {  	[smem:$0x3F99] =	sst lr;
	_ =	strace $0xD0000000  }
0x3: {  	_ = 	snop  }
0x4: {  	_ = 	snop  }
0x5: {  	_ = 	snop  }
0x6: {  	_ = 	snop  }
0x7: {  	_ = 	snop  }
__scs_overlays_trampoline_lowered:
0x8: {  	[smem:$0x3FA8] =	sst s0  }
0x9: {  	[smem:$0x3FA9] =	sst s1  }
0xa: {  	[smem:$0x3FAA] =	sst s2  }
0xb: {  	[smem:$0x3FAB] =	sst s3  }
0xc: {  	[smem:$0x3FAC] =	sst s4  }
0xd: {  	[smem:$0x3FAD] =	sst s5  }
0xe: {  	[smem:$0x3FAE] =	sst s6  }
0xf: {  	[smem:$0x3FAF] =	sst s7  }
0x10: {  	[smem:$0x3FB0] =	sst s8  }
0x11: {  	[smem:$0x3FB1] =	sst s9;
	s0 =	simm.s32 @!p0 $0x0  }
0x12: {  	s1 =	sld [smem:$0x3F97];
	s0 =	simm.s32 @p0 $0x1  }
0x13: {  	[smem:$0x3FB2] =	sst s0;
	s0 =	simm.s32 @!p1 $0x0  }
0x14: {  	s2 =	sld [smem:$0x3F96];
	s0 =	simm.s32 @p1 $0x1  }
0x15: {  	[smem:$0x3FB3] =	sst s0;
	s0 =	simm.s32 @!p2 $0x0  }
0x16: {  	s3 =	sld [smem:$0x3FDB];
	s0 =	simm.s32 @p2 $0x1  }
0x17: {  	s4 =	simm.s32 $0x1BF5;
	[smem:$0x3FB5] =	sst s0  }
0x18: {  	s0 =	sld [smem:$0x3F98];
	_ =	swait.ge [sflag:s4], $0x0  }
0x19: {  	s7 =	sld [smem:$0x3F99]  }
0x1a: {  	s8 =	sadd.s32 $0xFFFFE003, lr  }
0x1b: {  	s9 =	sadd.s32 $0xFFFFFEF7, lr;
	s5 =	simm.s32 $0xFFFFFFFF;
	p2 =	slt.u32 s8, $0xFFFFF086  }
0x1c: {  	p1 =	slt.u32 s9, $0xF7A;
	s5 =	simm.s32 @!p2 $0x0  }
0x1d: {  	s5 =	simm.s32 @p1 $0x1;
	p0 =	seq.s32 s7, s2  }
0x1e: {  	s7 =	smul.u32 @!p0 $0xF7A, s2;
	p2 =	seq.s32 @!p0 s5, $0x0  }
0x1f: {  	s9 =	smul.u32 $0xF7A, s1;
	s8 =	simm.s32 @!p0 $0x1BF5;
	p2 =	por !p2, p0  }
0x20: {  	[sflag:s8] =	ssyncset.s32 @!p0 $0xFFFFF086;
	s6 =	sadd.s32 @!p0 s3, s7;
	s7 =	simm.s32 @!p0 $0x108  }
0x21: {  	s3 =	sadd.s32 s3, s9;
	s6 =	sadd.s32 @!p0 $0x88, s6;
	s7 =	simm.s32 @p2 $0x1082  }
0x22: {  	[simem:s7], [sflag:s8] =	dma.local @!p0 [hbm:s6], $0xF7A  }
0x23: {  	s9 =	sor.u32 $0xD0000000, s2;
	s6 =	simm.s32 $0x108;
	_ =	swait.ge @!p0 [sflag:s8], $0x0  }
0x24: {  	s3 =	sadd.s32 $0x88, s3;
	s6 =	simm.s32 @!p1 $0x1082;
	[sflag:s4] =	ssyncset.s32 $0xFFFFF086  }
0x25: {  	[simem:s6], [sflag:s4] =	dma.local [hbm:s3], $0xF7A  }
0x26: {  	[smem:$0x3F99] =	sst s1;
	(tag) =	ssettag s2;
	_ =	strace s9  }
0x27: {  	s1 =	sld [smem:$0x3FA9]  }
0x28: {  	s2 =	sld [smem:$0x3FAA]  }
0x29: {  	s4 =	sld [smem:$0x3FAC]  }
0x2a: {  	p0 =	seq.s32 s5, $0x0;
	s5 =	sld [smem:$0x3FAD]  }
0x2b: {  	s6 =	sld [smem:$0x3FAE]  }
0x2c: {  	s7 =	sld [smem:$0x3FAF]  }
0x2d: {  	s3 =	simm.s32 $0x108;
	s8 =	sld [smem:$0x3FB0]  }
0x2e: {  	s3 =	simm.s32 @!p0 $0x1082;
	s9 =	sld [smem:$0x3FB1]  }
0x2f: {  	lr =	sadd.s32 s0, s3;
	s0 =	sld [smem:$0x3FA8]  }
0x30: {  	s3 =	sld [smem:$0x3FAB]  }
0x31: {  	[smem:$0x3FB4] =	sst s10  }
0x32: {  	s10 =	sld [smem:$0x3FB2];
	_ =	sdelay $0x3  }
0x33: {  	p0 =	seq.s32 s10, $0x1;
	s10 =	sld [smem:$0x3FB4];
	_ =	sdelay $0x3  }
0x34: {  	[smem:$0x3FB4] =	sst s10  }
0x35: {  	s10 =	sld [smem:$0x3FB3];
	_ =	sdelay $0x3  }
0x36: {  	p1 =	seq.s32 s10, $0x1;
	s10 =	sld [smem:$0x3FB4];
	_ =	sdelay $0x3  }
0x37: {  	[smem:$0x3FB4] =	sst s10  }
0x38: {  	s10 =	sld [smem:$0x3FB5]  }
0x39: {  	_ = 	snop;
	(pc) =	sbr.ind lr, $3  }
0x3a: {  	_ = 	snop  }
0x3b: {  	_ = 	snop  }
0x3c: {  	p2 =	seq.s32 s10, $0x1;
	s10 =	sld [smem:$0x3FB4]  }
0x3d: {  	_ =	shalt  }
0x3e: {  	_ =	shalt  }
0x3f: {  	_ =	shalt  }
0x40: {  	_ =	shalt  }
0x41: {  	_ =	shalt  }
0x42: {  	_ =	shalt  }
0x43: {  	_ =	shalt  }
0x44: {  	_ =	shalt  }
0x45: {  	_ =	shalt  }
0x46: {  	_ =	shalt  }
0x47: {  	_ =	shalt  }
0x48: {  	_ =	shalt  }
0x49: {  	_ =	shalt  }
0x4a: {  	_ =	shalt  }
0x4b: {  	_ =	shalt  }
0x4c: {  	_ =	shalt  }
0x4d: {  	_ =	shalt  }
0x4e: {  	_ =	shalt  }
0x4f: {  	_ =	shalt  }
0x50: {  	_ =	shalt  }
0x51: {  	_ =	shalt  }
0x52: {  	_ =	shalt  }
0x53: {  	_ =	shalt  }
0x54: {  	_ =	shalt  }
0x55: {  	_ =	shalt  }
0x56: {  	_ =	shalt  }
0x57: {  	_ =	shalt  }
0x58: {  	_ =	shalt  }
0x59: {  	_ =	shalt  }
0x5a: {  	_ =	shalt  }
0x5b: {  	_ =	shalt  }
0x5c: {  	_ =	shalt  }
0x5d: {  	_ =	shalt  }
0x5e: {  	_ =	shalt  }
0x5f: {  	_ =	shalt  }
0x60: {  	_ =	shalt  }
0x61: {  	_ =	shalt  }
0x62: {  	_ =	shalt  }
0x63: {  	_ =	shalt  }
0x64: {  	_ =	shalt  }
0x65: {  	_ =	shalt  }
0x66: {  	_ =	shalt  }
0x67: {  	_ =	shalt  }
0x68: {  	_ =	shalt  }
0x69: {  	_ =	shalt  }
0x6a: {  	_ =	shalt  }
0x6b: {  	_ =	shalt  }
0x6c: {  	_ =	shalt  }
0x6d: {  	_ =	shalt  }
0x6e: {  	_ =	shalt  }
0x6f: {  	_ =	shalt  }
0x70: {  	_ =	shalt  }
0x71: {  	_ =	shalt  }
0x72: {  	_ =	shalt  }
0x73: {  	_ =	shalt  }
0x74: {  	_ =	shalt  }
0x75: {  	_ =	shalt  }
0x76: {  	_ =	shalt  }
0x77: {  	_ =	shalt  }
0x78: {  	_ =	shalt  }
0x79: {  	_ =	shalt  }
0x7a: {  	_ =	shalt  }
0x7b: {  	_ =	shalt  }
0x7c: {  	_ =	shalt  }
0x7d: {  	_ =	shalt  }
0x7e: {  	_ =	shalt  }
0x7f: {  	_ =	shalt  }
0x80: {  	_ =	shalt  }
0x81: {  	_ =	shalt  }
0x82: {  	_ =	shalt  }
0x83: {  	_ =	shalt  }
0x84: {  	_ =	shalt  }
0x85: {  	_ =	shalt  }
0x86: {  	_ =	shalt  }
0x87: {  	_ =	shalt  }
.Lfunc_end0:
.L_simem_size_0:
called_computation.1_lowered:
.L_overlay_start_0:
0x88: {  	s2 =	sld [smem:$0x3FD9]  }
0x89: {  	s3 =	sld [smem:$0x3FFE];
	_ =	sdelay $0x1  }
0x8a: {  	s1 =	srdreg.scid  }
0x8b: {  	s0 =	sand.u32 $0x1, s1  }
0x8c: {  	s17 =	sshll.u32 s0, $0xA;
	s2 =	sadd.s32 s3, s2  }
0x8d: {  	s2 =	sadd.s32 s2, s17  }
0x8e: {  	[smem:$0x3FC0] =	sst s2  }
0x8f: {  	_ = 	snop  }
0x90: {  	s2 =	sld [smem:$0x3FD0];
	(tm) =	ssettm $0x1  }
0x91: {  	s18 =	sld [smem:$0x3FFB];
	_ =	sdelay $0x3  }
0x92: {  	_ =	strace s18  }
0x93: {  	s3 =	sld [smem:$0x3FFC];
	_ =	sdelay $0x3  }
0x94: {  	_ =	strace s3  }
0x95: {  	s3 =	sld [smem:$0x3FFD];
	_ =	sdelay $0x3  }
0x96: {  	_ =	strace s3  }
0x97: {  	_ =	strace $0x8FFFFFFF  }
0x98: {  	s19 =	sld [smem:$0x3FDB];
	_ =	sdelay $0x1  }
0x99: {  	s4 =	simm.s32 $_scs_section_size  }
0x9a: {  	s5 =	simm.s32 $_size__tile_overlayer_lowered;
	s6 =	simm.s32 $_tile_overlayer_lowered  }
0x9b: {  	s22 =	simm.s32 $0x1BFF;
	s21 =	sshll.u32 s6, $0x1;
	s3 =	sadd.s32 s4, s19  }
0x9c: {  	s7 =	simm.s32 $0x0;
	s20 =	sshll.u32 s5, $0x1;
	s5 =	sadd.s32 s21, s3  }
0x9d: {  	[timem:s7], [sflag:s22] =	dma.local [hbm:s5], s20  }
0x9e: {  	_ =	swait.ge [sflag:s22], s20  }
0x9f: {  	s4 =	ssub.s32 $0x0, s20;
	[sflag:s22] =	ssyncset.done $0x0  }
0xa0: {  	[sflag:s22] =	ssyncadd.s32 s4;
	_ =	sdelay $0x1  }
0xa1: {  	s23 =	simm.s32 $0x1B8B  }
0xa2: {  	_ =	swait.ge [sflag:s23], $0x1  }
0xa3: {  	[sflag:s23] =	ssyncset.done $0x0  }
0xa4: {  	s25 =	simm.s32 $0x1B8E;
	s24 =	sld [smem:$0x3FFE];
	[sflag:s23] =	ssyncadd.s32 $0xFFFFFFFF  }
0xa5: {  	s26 =	simm.s32 $execute0_lowered;
	[smem:$0x3FD2] =	sst s25  }
0xa6: {  	s5 =	sshll.u32 s26, $0x1;
	_ =	strace $0x80000049;
	[dreg:$0x1] =	wrdreg $0xFFFFFFFF  }
0xa7: {  	s28 =	simm.s32 $_size_execute0_lowered;
	s3 =	sadd.s32 s3, s5;
	[dreg:$0x0] =	wrdreg $0x0  }
0xa8: {  	s5 =	sshll.u32 s28, $0x1;
	[dreg:$0x2] =	wrdreg s3  }
0xa9: {  	[dreg:$0x3] =	wrdreg s5  }
0xaa: {  	[dreg:$0x4] =	wrdreg $0xC0  }
0xab: {  	_ =	task [dreg:s7], $0x5FFFF  }
0xac: {  	[dreg:$0x1] =	wrdreg $0xFFFFFFFF  }
0xad: {  	[dreg:$0x0] =	wrdreg $0x60  }
0xae: {  	[dreg:$0x2] =	wrdreg s2  }
0xaf: {  	[dreg:$0x3] =	wrdreg s24  }
0xb0: {  	[dreg:$0x4] =	wrdreg $0x92000  }
0xb1: {  	[dreg:$0x5] =	wrdreg $0x9  }
0xb2: {  	_ =	task.clear_ibuf [dreg:s7], $0x6FFFF;
	_ =	strace $0x90000049  }
0xb3: {  	s29 =	simm.s32 $0x9;
	_ =	strace $0x8000004B  }
0xb4: {  	_ =	swait.ge [sflag:s29], $0x1  }
0xb5: {  	[sflag:s29] =	ssyncadd.s32 $0xFFFFFFFF  }
0xb6: {  	_ =	strace $0x9000004B  }
0xb7: {  	_ =	sfence  }
0xb8: {  	s30 =	sld [smem:$0x0];
	_ =	sdelay $0x2  }
0xb9: {  	s31 =	sshll.u32 s1, $0xD;
	s1 =	sshrl.u32 s1, $0x2  }
0xba: {  	s3 =	sand.u32 $0x4000, s31;
	s1 =	sadd.s32 s1, s30  }
0xbb: {  	s0 =	sor.u32 s3, s0;
	s1 =	sshll.u32 s1, $0x11  }
0xbc: {  	s0 =	sor.u32 s1, s0  }
0xbd: {  	s0 =	sadd.s32 $0x8F2B, s0  }
0xbe: {  	[sflag:s0] =	ssyncadd.remote.s32 $0x1  }
0xbf: {  	_ =	sfence.sel $0xFFFF  }
0xc0: {  	[dreg:$0x0] =	wrdreg $0xFFFFFFFF;
	(pc) =	sbr.abs _section_cstart, $3  }
0xc1: {  	[dreg:$0x1] =	wrdreg $0xFFFFFFFF  }
0xc2: {  	_ =	task.clear_ibuf [dreg:s7], $0x2FFFF;
	_ =	strace $0x9FFFFFFF  }
0xc3: {  	(tm) =	ssettm $0x7FFFFFFF  }
tec
execute0_lowered:
.L_overlay_start_1:
0x0: {  	(tag) =	ssettag $0x1  }
0x1: {  	s7 =	rddreg [dreg:$0x0]  }
0x2: {  	s0 =	srdreg.scid;
	s8 =	rddreg [dreg:$0x1]  }
0x3: {  	s2 =	rddreg [dreg:$0x2];
	s3 =	simm.s32 $0x0;
	s16 =	simm.s32 $0x7200  }
0x4: {  	s17 =	simm.s32 $0x1;
	s18 =	simm.s32 $0x2;
	s19 =	simm.s32 $0x3  }
0x5: {  	s20 =	simm.s32 $0x4;
	s6 =	sand.u32 $0x1, s0;
	s0 =	stileid.u32  }
0x6: {  	s21 =	simm.s32 $0x0;
	[smem:$0x7FF] =	sst s3;
	s10 =	smul.u32 $0x5000, s0  }
0x7: {  	s4 =	sadd.s32 $0xBE00, s8;
	s1 =	sshll.u32 s6, $0x4;
	s5 =	smul.u32 $0xA0000, s6  }
0x8: {  	s6 =	ssub.s32 $0x2, s6;
	s13 =	sshll.u32 s0, $0x6;
	s1 =	sor.u32 s0, s1  }
0x9: {  	s31 =	sshrl.u32 s6, $0x1;
	s9 =	smul.u32 $0x520, s1;
	s1 =	rddreg [dreg:$0x3]  }
0xa: {  	_ =	strace $0x8000004A;
	s12 =	sadd.s32 s10, s5;
	s5 =	sadd.s32 $0x1FE00, s8  }
0xb: {  	s14 =	ssub.s32 s6, s31;
	s15 =	sadd.s32 s10, s2;
	s6 =	sor.u32 $0x1C05, s13  }
0xc: {  	s13 =	simm.s32 $0x2900;
	s12 =	sshrl.u32 s12, $0x3;
	s10 =	smax.u32 s14, $0x1  }
0xd: {  	s14 =	simm.s32 $0x80;
	s11 =	sadd.s32 s9, s8;
	s12 =	sadd.s32 s12, s8  }
0xe: {  	s7 =	sadd.s32 s7, s9;
	s8 =	sadd.s32 $0x1A00, s11;
	s9 =	sadd.s32 $0x20800, s12  }
0xf: {  	s11 =	sshrl.u32 s15, $0x3;
	s12 =	simm.s32 $0x5;
	s15 =	simm.s32 $0x5200  }
.LBB2_1:
0x10: {  	[spmem:s11], [sflag:s6] =	dma.local [hbm:s5], $0xA00  }
0x11: {  	_ =	swait.ge [sflag:s12], $0xA00  }
0x12: {  	[sflag:s12] =	ssyncset.done $0x0  }
0x13: {  	[sflag:s12] =	ssyncadd.s32 $0xFFFFF600  }
0x14: {  	[tilespmem:s3], [sflag:$0x5] =	stream.linear.gather [hbm4b:s7+s3], $0x2900, $0x38;
	[tilespmem:$0x13200] =	vst v63  }
0x15: {  	_ =	swait.ge [sflag:s12], $0x2900  }
0x16: {  	[sflag:s12] =	ssyncset.done $0x0  }
0x17: {  	[sflag:s12] =	ssyncadd.s32 $0xFFFFD700  }
0x18: {  	[tilespmem:s13], [sflag:$0x5] =	stream.linear.gather [hbm4b:s8+s3], $0x2900, $0x38;
	[tilespmem:$0x13200] =	vst v63  }
0x19: {  	_ =	swait.ge [sflag:s12], $0x2900  }
0x1a: {  	[sflag:s12] =	ssyncset.done $0x0  }
0x1b: {  	[sflag:s12] =	ssyncadd.s32 $0xFFFFD700  }
0x1c: {  	[bflag:$0x0] =	sbarrier.arrive $0xFFFF  }
0x1d: {  	[tilespmem:s15], [sflag:$0x1] =	stream.indirect.gather [hbm4b:s4+s14], $0x40, s3, s14, $0xb8;
	[tilespmem:$0x13200] =	vst v63  }
0x1e: {  	_ = 	snop  }
0x1f: {  	[tilespmem:s16], [sflag:$0x2] =	stream.indirect.gather [hbm4b:s4+s14], $0x40, s14, s14, $0xb8;
	[tilespmem:$0x13200] =	vst v63  }
0x20: {  	_ =	swait.ge [sflag:s17], $0x2000  }
0x21: {  	[sflag:s17] =	ssyncset.done $0x0  }
0x22: {  	s22 =	simm.s32 $0x2900;
	[sflag:s17] =	ssyncadd.s32 $0xFFFFE000  }
0x23: {  	[spmem:s2] =	stream.indirect.scatter.add.f32 [tilespmem:s15], [sflag:$0x3], $0x40, s22, s14, $0xb8;
	[tilespmem:$0x13200] =	vst v63  }
0x24: {  	_ =	swait.ge [sflag:s18], $0x2000  }
0x25: {  	[sflag:s18] =	ssyncset.done $0x0  }
0x26: {  	s30 =	simm.s32 $0x2980;
	[sflag:s18] =	ssyncadd.s32 $0xFFFFE000  }
0x27: {  	[spmem:s2] =	stream.indirect.scatter.add.f32 [tilespmem:s16], [sflag:$0x4], $0x40, s30, s14, $0xb8;
	[tilespmem:$0x13200] =	vst v63  }
0x28: {  	_ =	swait.ge [sflag:s19], $0x2000  }
0x29: {  	[sflag:s19] =	ssyncset.done $0x0  }
0x2a: {  	s31 =	simm.s32 $0x100;
	[sflag:s19] =	ssyncadd.s32 $0xFFFFE000  }
0x2b: {  	[tilespmem:s15], [sflag:$0x1] =	stream.indirect.gather [hbm4b:s4+s14], $0x40, s31, s14, $0xb8;
	[tilespmem:$0x13200] =	vst v63  }
0x2c: {  	_ =	swait.ge [sflag:s20], $0x2000  }
0x2d: {  	[sflag:s20] =	ssyncset.done $0x0  }
0x2e: {  	s23 =	simm.s32 $0x180;
	s22 =	simm.s32 $0x400;
	[sflag:s20] =	ssyncadd.s32 $0xFFFFE000  }
.LBB2_2:
0x2f: {  	[tilespmem:s16], [sflag:$0x2] =	stream.indirect.gather [hbm4b:s4+s14], $0x40, s23, s14, $0xb8;
	[tilespmem:$0x13200] =	vst v63  }
0x30: {  	s23 =	smov.u32 s22  }
0x31: {  	p0 =	sne.s32 s22, $0x9C00;
	s22 =	sadd.s32 $0x400, s22;
	_ =	swait.ge [sflag:s17], $0x2000  }
0x32: {  	s23 =	sshra.s32 s23, $0x2;
	[sflag:s17] =	ssyncset.done $0x0  }
0x33: {  	s24 =	sadd.s32 $0x2900, s23;
	[sflag:s17] =	ssyncadd.s32 $0xFFFFE000  }
0x34: {  	[spmem:s2] =	stream.indirect.scatter.add.f32 [tilespmem:s15], [sflag:$0x3], $0x40, s24, s14, $0xb8;
	[tilespmem:$0x13200] =	vst v63  }
0x35: {  	_ =	swait.ge [sflag:s18], $0x2000  }
0x36: {  	[sflag:s18] =	ssyncset.done $0x0  }
0x37: {  	s24 =	sadd.s32 $0x2980, s23;
	[sflag:s18] =	ssyncadd.s32 $0xFFFFE000  }
0x38: {  	[spmem:s2] =	stream.indirect.scatter.add.f32 [tilespmem:s16], [sflag:$0x4], $0x40, s24, s14, $0xb8;
	[tilespmem:$0x13200] =	vst v63  }
0x39: {  	_ =	swait.ge [sflag:s19], $0x2000  }
0x3a: {  	[sflag:s19] =	ssyncset.done $0x0  }
.Ltmp0:
0x3b: {  	s24 =	sadd.s32 $0x100, s23;
	[sflag:s19] =	ssyncadd.s32 $0xFFFFE000;
	(pc) =	sbr.rel @p0 .LBB2_2-.Ltmp0, $4  }
0x3c: {  	[tilespmem:s15], [sflag:$0x1] =	stream.indirect.gather [hbm4b:s4+s14], $0x40, s24, s14, $0xb8;
	[tilespmem:$0x13200] =	vst v63  }
0x3d: {  	_ =	swait.ge [sflag:s20], $0x2000  }
0x3e: {  	[sflag:s20] =	ssyncset.done $0x0  }
0x3f: {  	s23 =	sadd.s32 $0x180, s23;
	[sflag:s20] =	ssyncadd.s32 $0xFFFFE000  }
0x40: {  	[tilespmem:s16], [sflag:$0x2] =	stream.indirect.gather [hbm4b:s4+s14], $0x40, s23, s14, $0xb8;
	[tilespmem:$0x13200] =	vst v63  }
0x41: {  	_ =	swait.ge [sflag:s17], $0x2000  }
0x42: {  	[sflag:s17] =	ssyncset.done $0x0  }
0x43: {  	[sflag:s17] =	ssyncadd.s32 $0xFFFFE000  }
0x44: {  	_ =	swait.ge [sflag:s18], $0x2000  }
0x45: {  	s21 =	sadd.s32 $0x1, s21;
	[sflag:s18] =	ssyncset.done $0x0  }
0x46: {  	p0 =	sne.s32 s21, s10;
	[sflag:s18] =	ssyncadd.s32 $0xFFFFE000  }
.Ltmp1:
0x47: {  	[bflag:$0x0] =	sbarrier.arrive $0xFFFF;
	(pc) =	sbr.rel @p0 .LBB2_1-.Ltmp1, $4  }
0x48: {  	[hbm:s9], [sflag:s6] =	dma.local [spmem:s11], $0xA00  }
0x49: {  	_ =	swait.ge [sflag:s12], $0xA00  }
0x4a: {  	[sflag:s12] =	ssyncset.done $0x0  }
0x4b: {  	[sflag:s12] =	ssyncadd.s32 $0xFFFFF600  }
0x4c: {  	_ =	sfence.sel $0x180000  }
0x4d: {  	[bflag:$0x0] =	sbarrier.arrive $0xFFFF  }
0x4e: {  	p0 =	sne.s32 s0, $0x0;
	_ =	strace $0x9000004A  }
0x4f: {  	s0 =	sadd.s32 @!p0 $0x100000, s1;
	[bflag:$0x2] =	sbarrier.arrive $0xFFFF  }
0x50: {  	[sflag:s0] =	ssyncadd.tile.s32 @!p0 $0x1;
	_ =	shalt  }
.Lfunc_end2:
_tile_overlayer_lowered:
.L_overlay_start_2:
0x51: {  	(tag) =	ssettag $0x2  }
0x52: {  	s0 =	rddreg [dreg:$0x0];
	s2 =	stileid.u32  }
0x53: {  	s1 =	rddreg [dreg:$0x1];
	p0 =	sne.s32 s2, $0x0  }
0x54: {  	s3 =	rddreg [dreg:$0x2];
	[bflag:$0x3] =	sbarrier.arrive $0xFFFF;
	s2 =	simm.s32 @!p0 $0x1C05  }
0x55: {  	[timem:s3], [sflag:s2] =	dma.local @!p0 [hbm:s0], s1  }
0x56: {  	s0 =	simm.s32 @!p0 $0x5  }
0x57: {  	_ =	swait.ge @!p0 [sflag:s0], s1  }
0x58: {  	s1 =	ssub.s32 @!p0 $0x0, s1;
	[sflag:s0] =	ssyncset.done @!p0 $0x0  }
0x59: {  	[sflag:s0] =	ssyncadd.s32 @!p0 s1  }
0x5a: {  	[bflag:$0x3] =	sbarrier.arrive $0xFFFF  }
0x5b: {  	_ =	shalt  }

// kernel: kernel.14.cloned.1.call-start
scs
__scs_entry_jumppad:
0x0: {  	(pc) =	sbr.rel $0x88, $3  }
0x1: {  	(tag) =	ssettag $0x0;
	lr =	simm.s32 $0x1  }
0x2: {  	[smem:$0x3F99] =	sst lr;
	_ =	strace $0xD0000000  }
0x3: {  	_ = 	snop  }
0x4: {  	_ = 	snop  }
0x5: {  	_ = 	snop  }
0x6: {  	_ = 	snop  }
0x7: {  	_ = 	snop  }
__scs_overlays_trampoline_lowered:
0x8: {  	[smem:$0x3FA8] =	sst s0  }
0x9: {  	[smem:$0x3FA9] =	sst s1  }
0xa: {  	[smem:$0x3FAA] =	sst s2  }
0xb: {  	[smem:$0x3FAB] =	sst s3  }
0xc: {  	[smem:$0x3FAC] =	sst s4  }
0xd: {  	[smem:$0x3FAD] =	sst s5  }
0xe: {  	[smem:$0x3FAE] =	sst s6  }
0xf: {  	[smem:$0x3FAF] =	sst s7  }
0x10: {  	[smem:$0x3FB0] =	sst s8  }
0x11: {  	[smem:$0x3FB1] =	sst s9;
	s0 =	simm.s32 @!p0 $0x0  }
0x12: {  	s1 =	sld [smem:$0x3F97];
	s0 =	simm.s32 @p0 $0x1  }
0x13: {  	[smem:$0x3FB2] =	sst s0;
	s0 =	simm.s32 @!p1 $0x0  }
0x14: {  	s2 =	sld [smem:$0x3F96];
	s0 =	simm.s32 @p1 $0x1  }
0x15: {  	[smem:$0x3FB3] =	sst s0;
	s0 =	simm.s32 @!p2 $0x0  }
0x16: {  	s3 =	sld [smem:$0x3FDB];
	s0 =	simm.s32 @p2 $0x1  }
0x17: {  	s4 =	simm.s32 $0x1BF5;
	[smem:$0x3FB5] =	sst s0  }
0x18: {  	s0 =	sld [smem:$0x3F98];
	_ =	swait.ge [sflag:s4], $0x0  }
0x19: {  	s7 =	sld [smem:$0x3F99]  }
0x1a: {  	s8 =	sadd.s32 $0xFFFFE003, lr  }
0x1b: {  	s9 =	sadd.s32 $0xFFFFFEF7, lr;
	s5 =	simm.s32 $0xFFFFFFFF;
	p2 =	slt.u32 s8, $0xFFFFF086  }
0x1c: {  	p1 =	slt.u32 s9, $0xF7A;
	s5 =	simm.s32 @!p2 $0x0  }
0x1d: {  	s5 =	simm.s32 @p1 $0x1;
	p0 =	seq.s32 s7, s2  }
0x1e: {  	s7 =	smul.u32 @!p0 $0xF7A, s2;
	p2 =	seq.s32 @!p0 s5, $0x0  }
0x1f: {  	s9 =	smul.u32 $0xF7A, s1;
	s8 =	simm.s32 @!p0 $0x1BF5;
	p2 =	por !p2, p0  }
0x20: {  	[sflag:s8] =	ssyncset.s32 @!p0 $0xFFFFF086;
	s6 =	sadd.s32 @!p0 s3, s7;
	s7 =	simm.s32 @!p0 $0x108  }
0x21: {  	s3 =	sadd.s32 s3, s9;
	s6 =	sadd.s32 @!p0 $0x88, s6;
	s7 =	simm.s32 @p2 $0x1082  }
0x22: {  	[simem:s7], [sflag:s8] =	dma.local @!p0 [hbm:s6], $0xF7A  }
0x23: {  	s9 =	sor.u32 $0xD0000000, s2;
	s6 =	simm.s32 $0x108;
	_ =	swait.ge @!p0 [sflag:s8], $0x0  }
0x24: {  	s3 =	sadd.s32 $0x88, s3;
	s6 =	simm.s32 @!p1 $0x1082;
	[sflag:s4] =	ssyncset.s32 $0xFFFFF086  }
0x25: {  	[simem:s6], [sflag:s4] =	dma.local [hbm:s3], $0xF7A  }
0x26: {  	[smem:$0x3F99] =	sst s1;
	(tag) =	ssettag s2;
	_ =	strace s9  }
0x27: {  	s1 =	sld [smem:$0x3FA9]  }
0x28: {  	s2 =	sld [smem:$0x3FAA]  }
0x29: {  	s4 =	sld [smem:$0x3FAC]  }
0x2a: {  	p0 =	seq.s32 s5, $0x0;
	s5 =	sld [smem:$0x3FAD]  }
0x2b: {  	s6 =	sld [smem:$0x3FAE]  }
0x2c: {  	s7 =	sld [smem:$0x3FAF]  }
0x2d: {  	s3 =	simm.s32 $0x108;
	s8 =	sld [smem:$0x3FB0]  }
0x2e: {  	s3 =	simm.s32 @!p0 $0x1082;
	s9 =	sld [smem:$0x3FB1]  }
0x2f: {  	lr =	sadd.s32 s0, s3;
	s0 =	sld [smem:$0x3FA8]  }
0x30: {  	s3 =	sld [smem:$0x3FAB]  }
0x31: {  	[smem:$0x3FB4] =	sst s10  }
0x32: {  	s10 =	sld [smem:$0x3FB2];
	_ =	sdelay $0x3  }
0x33: {  	p0 =	seq.s32 s10, $0x1;
	s10 =	sld [smem:$0x3FB4];
	_ =	sdelay $0x3  }
0x34: {  	[smem:$0x3FB4] =	sst s10  }
0x35: {  	s10 =	sld [smem:$0x3FB3];
	_ =	sdelay $0x3  }
0x36: {  	p1 =	seq.s32 s10, $0x1;
	s10 =	sld [smem:$0x3FB4];
	_ =	sdelay $0x3  }
0x37: {  	[smem:$0x3FB4] =	sst s10  }
0x38: {  	s10 =	sld [smem:$0x3FB5]  }
0x39: {  	_ = 	snop;
	(pc) =	sbr.ind lr, $3  }
0x3a: {  	_ = 	snop  }
0x3b: {  	_ = 	snop  }
0x3c: {  	p2 =	seq.s32 s10, $0x1;
	s10 =	sld [smem:$0x3FB4]  }
0x3d: {  	_ =	shalt  }
0x3e: {  	_ =	shalt  }
0x3f: {  	_ =	shalt  }
0x40: {  	_ =	shalt  }
0x41: {  	_ =	shalt  }
0x42: {  	_ =	shalt  }
0x43: {  	_ =	shalt  }
0x44: {  	_ =	shalt  }
0x45: {  	_ =	shalt  }
0x46: {  	_ =	shalt  }
0x47: {  	_ =	shalt  }
0x48: {  	_ =	shalt  }
0x49: {  	_ =	shalt  }
0x4a: {  	_ =	shalt  }
0x4b: {  	_ =	shalt  }
0x4c: {  	_ =	shalt  }
0x4d: {  	_ =	shalt  }
0x4e: {  	_ =	shalt  }
0x4f: {  	_ =	shalt  }
0x50: {  	_ =	shalt  }
0x51: {  	_ =	shalt  }
0x52: {  	_ =	shalt  }
0x53: {  	_ =	shalt  }
0x54: {  	_ =	shalt  }
0x55: {  	_ =	shalt  }
0x56: {  	_ =	shalt  }
0x57: {  	_ =	shalt  }
0x58: {  	_ =	shalt  }
0x59: {  	_ =	shalt  }
0x5a: {  	_ =	shalt  }
0x5b: {  	_ =	shalt  }
0x5c: {  	_ =	shalt  }
0x5d: {  	_ =	shalt  }
0x5e: {  	_ =	shalt  }
0x5f: {  	_ =	shalt  }
0x60: {  	_ =	shalt  }
0x61: {  	_ =	shalt  }
0x62: {  	_ =	shalt  }
0x63: {  	_ =	shalt  }
0x64: {  	_ =	shalt  }
0x65: {  	_ =	shalt  }
0x66: {  	_ =	shalt  }
0x67: {  	_ =	shalt  }
0x68: {  	_ =	shalt  }
0x69: {  	_ =	shalt  }
0x6a: {  	_ =	shalt  }
0x6b: {  	_ =	shalt  }
0x6c: {  	_ =	shalt  }
0x6d: {  	_ =	shalt  }
0x6e: {  	_ =	shalt  }
0x6f: {  	_ =	shalt  }
0x70: {  	_ =	shalt  }
0x71: {  	_ =	shalt  }
0x72: {  	_ =	shalt  }
0x73: {  	_ =	shalt  }
0x74: {  	_ =	shalt  }
0x75: {  	_ =	shalt  }
0x76: {  	_ =	shalt  }
0x77: {  	_ =	shalt  }
0x78: {  	_ =	shalt  }
0x79: {  	_ =	shalt  }
0x7a: {  	_ =	shalt  }
0x7b: {  	_ =	shalt  }
0x7c: {  	_ =	shalt  }
0x7d: {  	_ =	shalt  }
0x7e: {  	_ =	shalt  }
0x7f: {  	_ =	shalt  }
0x80: {  	_ =	shalt  }
0x81: {  	_ =	shalt  }
0x82: {  	_ =	shalt  }
0x83: {  	_ =	shalt  }
0x84: {  	_ =	shalt  }
0x85: {  	_ =	shalt  }
0x86: {  	_ =	shalt  }
0x87: {  	_ =	shalt  }
.Lfunc_end0:
.L_simem_size_0:
called_computation.2_lowered:
.L_overlay_start_0:
0x88: {  	s2 =	sld [smem:$0x3FD9]  }
0x89: {  	s3 =	sld [smem:$0x3FFE];
	_ =	sdelay $0x1  }
0x8a: {  	s1 =	srdreg.scid  }
0x8b: {  	s0 =	sand.u32 $0x1, s1  }
0x8c: {  	s17 =	sshll.u32 s0, $0xA;
	s2 =	sadd.s32 s3, s2  }
0x8d: {  	s2 =	sadd.s32 s2, s17  }
0x8e: {  	[smem:$0x3FC0] =	sst s2  }
0x8f: {  	_ = 	snop  }
0x90: {  	s2 =	sld [smem:$0x3FD0];
	(tm) =	ssettm $0x1  }
0x91: {  	s18 =	sld [smem:$0x3FFB];
	_ =	sdelay $0x3  }
0x92: {  	_ =	strace s18  }
0x93: {  	s3 =	sld [smem:$0x3FFC];
	_ =	sdelay $0x3  }
0x94: {  	_ =	strace s3  }
0x95: {  	s3 =	sld [smem:$0x3FFD];
	_ =	sdelay $0x3  }
0x96: {  	_ =	strace s3  }
0x97: {  	_ =	strace $0x8FFFFFFF  }
0x98: {  	s19 =	sld [smem:$0x3FDB];
	_ =	sdelay $0x1  }
0x99: {  	s4 =	simm.s32 $_scs_section_size  }
0x9a: {  	s5 =	simm.s32 $_size__tile_overlayer_lowered;
	s6 =	simm.s32 $_tile_overlayer_lowered  }
0x9b: {  	s22 =	simm.s32 $0x1BFF;
	s21 =	sshll.u32 s6, $0x1;
	s3 =	sadd.s32 s4, s19  }
0x9c: {  	s7 =	simm.s32 $0x0;
	s20 =	sshll.u32 s5, $0x1;
	s5 =	sadd.s32 s21, s3  }
0x9d: {  	[timem:s7], [sflag:s22] =	dma.local [hbm:s5], s20  }
0x9e: {  	_ =	swait.ge [sflag:s22], s20  }
0x9f: {  	s4 =	ssub.s32 $0x0, s20;
	[sflag:s22] =	ssyncset.done $0x0  }
0xa0: {  	[sflag:s22] =	ssyncadd.s32 s4;
	_ =	sdelay $0x1  }
0xa1: {  	s23 =	simm.s32 $0x1B8B  }
0xa2: {  	_ =	swait.ge [sflag:s23], $0x1  }
0xa3: {  	[sflag:s23] =	ssyncset.done $0x0  }
0xa4: {  	s25 =	simm.s32 $0x1B8E;
	s24 =	sld [smem:$0x3FFE];
	[sflag:s23] =	ssyncadd.s32 $0xFFFFFFFF  }
0xa5: {  	s26 =	simm.s32 $execute0_lowered;
	[smem:$0x3FD2] =	sst s25  }
0xa6: {  	s5 =	sshll.u32 s26, $0x1;
	_ =	strace $0x8000004C;
	[dreg:$0x1] =	wrdreg $0xFFFFFFFF  }
0xa7: {  	s28 =	simm.s32 $_size_execute0_lowered;
	s3 =	sadd.s32 s3, s5;
	[dreg:$0x0] =	wrdreg $0x0  }
0xa8: {  	s5 =	sshll.u32 s28, $0x1;
	[dreg:$0x2] =	wrdreg s3  }
0xa9: {  	[dreg:$0x3] =	wrdreg s5  }
0xaa: {  	[dreg:$0x4] =	wrdreg $0xC0  }
0xab: {  	_ =	task [dreg:s7], $0x5FFFF  }
0xac: {  	[dreg:$0x1] =	wrdreg $0xFFFFFFFF  }
0xad: {  	[dreg:$0x0] =	wrdreg $0x60  }
0xae: {  	[dreg:$0x2] =	wrdreg s2  }
0xaf: {  	[dreg:$0x3] =	wrdreg s24  }
0xb0: {  	[dreg:$0x4] =	wrdreg $0x92000  }
0xb1: {  	[dreg:$0x5] =	wrdreg $0x9  }
0xb2: {  	_ =	task.clear_ibuf [dreg:s7], $0x6FFFF;
	_ =	strace $0x9000004C  }
0xb3: {  	s29 =	simm.s32 $0x9;
	_ =	strace $0x8000004E  }
0xb4: {  	_ =	swait.ge [sflag:s29], $0x1  }
0xb5: {  	[sflag:s29] =	ssyncadd.s32 $0xFFFFFFFF  }
0xb6: {  	_ =	strace $0x9000004E  }
0xb7: {  	_ =	sfence  }
0xb8: {  	s30 =	sld [smem:$0x0];
	_ =	sdelay $0x2  }
0xb9: {  	s31 =	sshll.u32 s1, $0xD;
	s1 =	sshrl.u32 s1, $0x2  }
0xba: {  	s3 =	sand.u32 $0x4000, s31;
	s1 =	sadd.s32 s1, s30  }
0xbb: {  	s0 =	sor.u32 s3, s0;
	s1 =	sshll.u32 s1, $0x11  }
0xbc: {  	s0 =	sor.u32 s1, s0  }
0xbd: {  	s0 =	sadd.s32 $0x8F2B, s0  }
0xbe: {  	[sflag:s0] =	ssyncadd.remote.s32 $0x1  }
0xbf: {  	_ =	sfence.sel $0xFFFF  }
0xc0: {  	[dreg:$0x0] =	wrdreg $0xFFFFFFFF;
	(pc) =	sbr.abs _section_cstart, $3  }
0xc1: {  	[dreg:$0x1] =	wrdreg $0xFFFFFFFF  }
0xc2: {  	_ =	task.clear_ibuf [dreg:s7], $0x2FFFF;
	_ =	strace $0x9FFFFFFF  }
0xc3: {  	(tm) =	ssettm $0x7FFFFFFF  }
tec
execute0_lowered:
.L_overlay_start_1:
0x0: {  	(tag) =	ssettag $0x1  }
0x1: {  	s7 =	rddreg [dreg:$0x0]  }
0x2: {  	s0 =	srdreg.scid;
	s8 =	rddreg [dreg:$0x1]  }
0x3: {  	s2 =	rddreg [dreg:$0x2];
	s3 =	simm.s32 $0x0;
	s16 =	simm.s32 $0x7200  }
0x4: {  	s17 =	simm.s32 $0x1;
	s18 =	simm.s32 $0x2;
	s19 =	simm.s32 $0x3  }
0x5: {  	s20 =	simm.s32 $0x4;
	s6 =	sand.u32 $0x1, s0;
	s0 =	stileid.u32  }
0x6: {  	s21 =	simm.s32 $0x0;
	[smem:$0x7FF] =	sst s3;
	s10 =	smul.u32 $0x5000, s0  }
0x7: {  	s4 =	sadd.s32 $0xBE00, s8;
	s1 =	sshll.u32 s6, $0x4;
	s5 =	smul.u32 $0xA0000, s6  }
0x8: {  	s6 =	ssub.s32 $0x2, s6;
	s13 =	sshll.u32 s0, $0x6;
	s1 =	sor.u32 s0, s1  }
0x9: {  	s31 =	sshrl.u32 s6, $0x1;
	s9 =	smul.u32 $0x520, s1;
	s1 =	rddreg [dreg:$0x3]  }
0xa: {  	_ =	strace $0x8000004D;
	s12 =	sadd.s32 s10, s5;
	s5 =	sadd.s32 $0x1FE00, s8  }
0xb: {  	s14 =	ssub.s32 s6, s31;
	s15 =	sadd.s32 s10, s2;
	s6 =	sor.u32 $0x1C05, s13  }
0xc: {  	s13 =	simm.s32 $0x2900;
	s12 =	sshrl.u32 s12, $0x3;
	s10 =	smax.u32 s14, $0x1  }
0xd: {  	s14 =	simm.s32 $0x80;
	s11 =	sadd.s32 s9, s8;
	s12 =	sadd.s32 s12, s8  }
0xe: {  	s7 =	sadd.s32 s7, s9;
	s8 =	sadd.s32 $0x1A00, s11;
	s9 =	sadd.s32 $0x20800, s12  }
0xf: {  	s11 =	sshrl.u32 s15, $0x3;
	s12 =	simm.s32 $0x5;
	s15 =	simm.s32 $0x5200  }
.LBB2_1:
0x10: {  	[spmem:s11], [sflag:s6] =	dma.local [hbm:s5], $0xA00  }
0x11: {  	_ =	swait.ge [sflag:s12], $0xA00  }
0x12: {  	[sflag:s12] =	ssyncset.done $0x0  }
0x13: {  	[sflag:s12] =	ssyncadd.s32 $0xFFFFF600  }
0x14: {  	[tilespmem:s3], [sflag:$0x5] =	stream.linear.gather [hbm4b:s7+s3], $0x2900, $0x38;
	[tilespmem:$0x13200] =	vst v63  }
0x15: {  	_ =	swait.ge [sflag:s12], $0x2900  }
0x16: {  	[sflag:s12] =	ssyncset.done $0x0  }
0x17: {  	[sflag:s12] =	ssyncadd.s32 $0xFFFFD700  }
0x18: {  	[tilespmem:s13], [sflag:$0x5] =	stream.linear.gather [hbm4b:s8+s3], $0x2900, $0x38;
	[tilespmem:$0x13200] =	vst v63  }
0x19: {  	_ =	swait.ge [sflag:s12], $0x2900  }
0x1a: {  	[sflag:s12] =	ssyncset.done $0x0  }
0x1b: {  	[sflag:s12] =	ssyncadd.s32 $0xFFFFD700  }
0x1c: {  	[bflag:$0x0] =	sbarrier.arrive $0xFFFF  }
0x1d: {  	[tilespmem:s15], [sflag:$0x1] =	stream.indirect.gather [hbm4b:s4+s14], $0x40, s3, s14, $0xb8;
	[tilespmem:$0x13200] =	vst v63  }
0x1e: {  	_ = 	snop  }
0x1f: {  	[tilespmem:s16], [sflag:$0x2] =	stream.indirect.gather [hbm4b:s4+s14], $0x40, s14, s14, $0xb8;
	[tilespmem:$0x13200] =	vst v63  }
0x20: {  	_ =	swait.ge [sflag:s17], $0x2000  }
0x21: {  	[sflag:s17] =	ssyncset.done $0x0  }
0x22: {  	s22 =	simm.s32 $0x2900;
	[sflag:s17] =	ssyncadd.s32 $0xFFFFE000  }
0x23: {  	[spmem:s2] =	stream.indirect.scatter.add.f32 [tilespmem:s15], [sflag:$0x3], $0x40, s22, s14, $0xb8;
	[tilespmem:$0x13200] =	vst v63  }
0x24: {  	_ =	swait.ge [sflag:s18], $0x2000  }
0x25: {  	[sflag:s18] =	ssyncset.done $0x0  }
0x26: {  	s30 =	simm.s32 $0x2980;
	[sflag:s18] =	ssyncadd.s32 $0xFFFFE000  }
0x27: {  	[spmem:s2] =	stream.indirect.scatter.add.f32 [tilespmem:s16], [sflag:$0x4], $0x40, s30, s14, $0xb8;
	[tilespmem:$0x13200] =	vst v63  }
0x28: {  	_ =	swait.ge [sflag:s19], $0x2000  }
0x29: {  	[sflag:s19] =	ssyncset.done $0x0  }
0x2a: {  	s31 =	simm.s32 $0x100;
	[sflag:s19] =	ssyncadd.s32 $0xFFFFE000  }
0x2b: {  	[tilespmem:s15], [sflag:$0x1] =	stream.indirect.gather [hbm4b:s4+s14], $0x40, s31, s14, $0xb8;
	[tilespmem:$0x13200] =	vst v63  }
0x2c: {  	_ =	swait.ge [sflag:s20], $0x2000  }
0x2d: {  	[sflag:s20] =	ssyncset.done $0x0  }
0x2e: {  	s23 =	simm.s32 $0x180;
	s22 =	simm.s32 $0x400;
	[sflag:s20] =	ssyncadd.s32 $0xFFFFE000  }
.LBB2_2:
0x2f: {  	[tilespmem:s16], [sflag:$0x2] =	stream.indirect.gather [hbm4b:s4+s14], $0x40, s23, s14, $0xb8;
	[tilespmem:$0x13200] =	vst v63  }
0x30: {  	s23 =	smov.u32 s22  }
0x31: {  	p0 =	sne.s32 s22, $0x9C00;
	s22 =	sadd.s32 $0x400, s22;
	_ =	swait.ge [sflag:s17], $0x2000  }
0x32: {  	s23 =	sshra.s32 s23, $0x2;
	[sflag:s17] =	ssyncset.done $0x0  }
0x33: {  	s24 =	sadd.s32 $0x2900, s23;
	[sflag:s17] =	ssyncadd.s32 $0xFFFFE000  }
0x34: {  	[spmem:s2] =	stream.indirect.scatter.add.f32 [tilespmem:s15], [sflag:$0x3], $0x40, s24, s14, $0xb8;
	[tilespmem:$0x13200] =	vst v63  }
0x35: {  	_ =	swait.ge [sflag:s18], $0x2000  }
0x36: {  	[sflag:s18] =	ssyncset.done $0x0  }
0x37: {  	s24 =	sadd.s32 $0x2980, s23;
	[sflag:s18] =	ssyncadd.s32 $0xFFFFE000  }
0x38: {  	[spmem:s2] =	stream.indirect.scatter.add.f32 [tilespmem:s16], [sflag:$0x4], $0x40, s24, s14, $0xb8;
	[tilespmem:$0x13200] =	vst v63  }
0x39: {  	_ =	swait.ge [sflag:s19], $0x2000  }
0x3a: {  	[sflag:s19] =	ssyncset.done $0x0  }
.Ltmp0:
0x3b: {  	s24 =	sadd.s32 $0x100, s23;
	[sflag:s19] =	ssyncadd.s32 $0xFFFFE000;
	(pc) =	sbr.rel @p0 .LBB2_2-.Ltmp0, $4  }
0x3c: {  	[tilespmem:s15], [sflag:$0x1] =	stream.indirect.gather [hbm4b:s4+s14], $0x40, s24, s14, $0xb8;
	[tilespmem:$0x13200] =	vst v63  }
0x3d: {  	_ =	swait.ge [sflag:s20], $0x2000  }
0x3e: {  	[sflag:s20] =	ssyncset.done $0x0  }
0x3f: {  	s23 =	sadd.s32 $0x180, s23;
	[sflag:s20] =	ssyncadd.s32 $0xFFFFE000  }
0x40: {  	[tilespmem:s16], [sflag:$0x2] =	stream.indirect.gather [hbm4b:s4+s14], $0x40, s23, s14, $0xb8;
	[tilespmem:$0x13200] =	vst v63  }
0x41: {  	_ =	swait.ge [sflag:s17], $0x2000  }
0x42: {  	[sflag:s17] =	ssyncset.done $0x0  }
0x43: {  	[sflag:s17] =	ssyncadd.s32 $0xFFFFE000  }
0x44: {  	_ =	swait.ge [sflag:s18], $0x2000  }
0x45: {  	s21 =	sadd.s32 $0x1, s21;
	[sflag:s18] =	ssyncset.done $0x0  }
0x46: {  	p0 =	sne.s32 s21, s10;
	[sflag:s18] =	ssyncadd.s32 $0xFFFFE000  }
.Ltmp1:
0x47: {  	[bflag:$0x0] =	sbarrier.arrive $0xFFFF;
	(pc) =	sbr.rel @p0 .LBB2_1-.Ltmp1, $4  }
0x48: {  	[hbm:s9], [sflag:s6] =	dma.local [spmem:s11], $0xA00  }
0x49: {  	_ =	swait.ge [sflag:s12], $0xA00  }
0x4a: {  	[sflag:s12] =	ssyncset.done $0x0  }
0x4b: {  	[sflag:s12] =	ssyncadd.s32 $0xFFFFF600  }
0x4c: {  	_ =	sfence.sel $0x180000  }
0x4d: {  	[bflag:$0x0] =	sbarrier.arrive $0xFFFF  }
0x4e: {  	p0 =	sne.s32 s0, $0x0;
	_ =	strace $0x9000004D  }
0x4f: {  	s0 =	sadd.s32 @!p0 $0x100000, s1;
	[bflag:$0x2] =	sbarrier.arrive $0xFFFF  }
0x50: {  	[sflag:s0] =	ssyncadd.tile.s32 @!p0 $0x1;
	_ =	shalt  }
.Lfunc_end2:
_tile_overlayer_lowered:
.L_overlay_start_2:
0x51: {  	(tag) =	ssettag $0x2  }
0x52: {  	s0 =	rddreg [dreg:$0x0];
	s2 =	stileid.u32  }
0x53: {  	s1 =	rddreg [dreg:$0x1];
	p0 =	sne.s32 s2, $0x0  }
0x54: {  	s3 =	rddreg [dreg:$0x2];
	[bflag:$0x3] =	sbarrier.arrive $0xFFFF;
	s2 =	simm.s32 @!p0 $0x1C05  }
0x55: {  	[timem:s3], [sflag:s2] =	dma.local @!p0 [hbm:s0], s1  }
0x56: {  	s0 =	simm.s32 @!p0 $0x5  }
0x57: {  	_ =	swait.ge @!p0 [sflag:s0], s1  }
0x58: {  	s1 =	ssub.s32 @!p0 $0x0, s1;
	[sflag:s0] =	ssyncset.done @!p0 $0x0  }
0x59: {  	[sflag:s0] =	ssyncadd.s32 @!p0 s1  }
0x5a: {  	[bflag:$0x3] =	sbarrier.arrive $0xFFFF  }
0x5b: {  	_ =	shalt  }

// kernel: kernel.8.cloned.1.call-start
scs
__scs_entry_jumppad:
0x0: {  	(pc) =	sbr.rel $0x88, $3  }
0x1: {  	(tag) =	ssettag $0x0;
	lr =	simm.s32 $0x1  }
0x2: {  	[smem:$0x3F99] =	sst lr;
	_ =	strace $0xD0000000  }
0x3: {  	_ = 	snop  }
0x4: {  	_ = 	snop  }
0x5: {  	_ = 	snop  }
0x6: {  	_ = 	snop  }
0x7: {  	_ = 	snop  }
__scs_overlays_trampoline_lowered:
0x8: {  	[smem:$0x3FA8] =	sst s0  }
0x9: {  	[smem:$0x3FA9] =	sst s1  }
0xa: {  	[smem:$0x3FAA] =	sst s2  }
0xb: {  	[smem:$0x3FAB] =	sst s3  }
0xc: {  	[smem:$0x3FAC] =	sst s4  }
0xd: {  	[smem:$0x3FAD] =	sst s5  }
0xe: {  	[smem:$0x3FAE] =	sst s6  }
0xf: {  	[smem:$0x3FAF] =	sst s7  }
0x10: {  	[smem:$0x3FB0] =	sst s8  }
0x11: {  	[smem:$0x3FB1] =	sst s9;
	s0 =	simm.s32 @!p0 $0x0  }
0x12: {  	s1 =	sld [smem:$0x3F97];
	s0 =	simm.s32 @p0 $0x1  }
0x13: {  	[smem:$0x3FB2] =	sst s0;
	s0 =	simm.s32 @!p1 $0x0  }
0x14: {  	s2 =	sld [smem:$0x3F96];
	s0 =	simm.s32 @p1 $0x1  }
0x15: {  	[smem:$0x3FB3] =	sst s0;
	s0 =	simm.s32 @!p2 $0x0  }
0x16: {  	s3 =	sld [smem:$0x3FDB];
	s0 =	simm.s32 @p2 $0x1  }
0x17: {  	s4 =	simm.s32 $0x1BF5;
	[smem:$0x3FB5] =	sst s0  }
0x18: {  	s0 =	sld [smem:$0x3F98];
	_ =	swait.ge [sflag:s4], $0x0  }
0x19: {  	s7 =	sld [smem:$0x3F99]  }
0x1a: {  	s8 =	sadd.s32 $0xFFFFE003, lr  }
0x1b: {  	s9 =	sadd.s32 $0xFFFFFEF7, lr;
	s5 =	simm.s32 $0xFFFFFFFF;
	p2 =	slt.u32 s8, $0xFFFFF086  }
0x1c: {  	p1 =	slt.u32 s9, $0xF7A;
	s5 =	simm.s32 @!p2 $0x0  }
0x1d: {  	s5 =	simm.s32 @p1 $0x1;
	p0 =	seq.s32 s7, s2  }
0x1e: {  	s7 =	smul.u32 @!p0 $0xF7A, s2;
	p2 =	seq.s32 @!p0 s5, $0x0  }
0x1f: {  	s9 =	smul.u32 $0xF7A, s1;
	s8 =	simm.s32 @!p0 $0x1BF5;
	p2 =	por !p2, p0  }
0x20: {  	[sflag:s8] =	ssyncset.s32 @!p0 $0xFFFFF086;
	s6 =	sadd.s32 @!p0 s3, s7;
	s7 =	simm.s32 @!p0 $0x108  }
0x21: {  	s3 =	sadd.s32 s3, s9;
	s6 =	sadd.s32 @!p0 $0x88, s6;
	s7 =	simm.s32 @p2 $0x1082  }
0x22: {  	[simem:s7], [sflag:s8] =	dma.local @!p0 [hbm:s6], $0xF7A  }
0x23: {  	s9 =	sor.u32 $0xD0000000, s2;
	s6 =	simm.s32 $0x108;
	_ =	swait.ge @!p0 [sflag:s8], $0x0  }
0x24: {  	s3 =	sadd.s32 $0x88, s3;
	s6 =	simm.s32 @!p1 $0x1082;
	[sflag:s4] =	ssyncset.s32 $0xFFFFF086  }
0x25: {  	[simem:s6], [sflag:s4] =	dma.local [hbm:s3], $0xF7A  }
0x26: {  	[smem:$0x3F99] =	sst s1;
	(tag) =	ssettag s2;
	_ =	strace s9  }
0x27: {  	s1 =	sld [smem:$0x3FA9]  }
0x28: {  	s2 =	sld [smem:$0x3FAA]  }
0x29: {  	s4 =	sld [smem:$0x3FAC]  }
0x2a: {  	p0 =	seq.s32 s5, $0x0;
	s5 =	sld [smem:$0x3FAD]  }
0x2b: {  	s6 =	sld [smem:$0x3FAE]  }
0x2c: {  	s7 =	sld [smem:$0x3FAF]  }
0x2d: {  	s3 =	simm.s32 $0x108;
	s8 =	sld [smem:$0x3FB0]  }
0x2e: {  	s3 =	simm.s32 @!p0 $0x1082;
	s9 =	sld [smem:$0x3FB1]  }
0x2f: {  	lr =	sadd.s32 s0, s3;
	s0 =	sld [smem:$0x3FA8]  }
0x30: {  	s3 =	sld [smem:$0x3FAB]  }
0x31: {  	[smem:$0x3FB4] =	sst s10  }
0x32: {  	s10 =	sld [smem:$0x3FB2];
	_ =	sdelay $0x3  }
0x33: {  	p0 =	seq.s32 s10, $0x1;
	s10 =	sld [smem:$0x3FB4];
	_ =	sdelay $0x3  }
0x34: {  	[smem:$0x3FB4] =	sst s10  }
0x35: {  	s10 =	sld [smem:$0x3FB3];
	_ =	sdelay $0x3  }
0x36: {  	p1 =	seq.s32 s10, $0x1;
	s10 =	sld [smem:$0x3FB4];
	_ =	sdelay $0x3  }
0x37: {  	[smem:$0x3FB4] =	sst s10  }
0x38: {  	s10 =	sld [smem:$0x3FB5]  }
0x39: {  	_ = 	snop;
	(pc) =	sbr.ind lr, $3  }
0x3a: {  	_ = 	snop  }
0x3b: {  	_ = 	snop  }
0x3c: {  	p2 =	seq.s32 s10, $0x1;
	s10 =	sld [smem:$0x3FB4]  }
0x3d: {  	_ =	shalt  }
0x3e: {  	_ =	shalt  }
0x3f: {  	_ =	shalt  }
0x40: {  	_ =	shalt  }
0x41: {  	_ =	shalt  }
0x42: {  	_ =	shalt  }
0x43: {  	_ =	shalt  }
0x44: {  	_ =	shalt  }
0x45: {  	_ =	shalt  }
0x46: {  	_ =	shalt  }
0x47: {  	_ =	shalt  }
0x48: {  	_ =	shalt  }
0x49: {  	_ =	shalt  }
0x4a: {  	_ =	shalt  }
0x4b: {  	_ =	shalt  }
0x4c: {  	_ =	shalt  }
0x4d: {  	_ =	shalt  }
0x4e: {  	_ =	shalt  }
0x4f: {  	_ =	shalt  }
0x50: {  	_ =	shalt  }
0x51: {  	_ =	shalt  }
0x52: {  	_ =	shalt  }
0x53: {  	_ =	shalt  }
0x54: {  	_ =	shalt  }
0x55: {  	_ =	shalt  }
0x56: {  	_ =	shalt  }
0x57: {  	_ =	shalt  }
0x58: {  	_ =	shalt  }
0x59: {  	_ =	shalt  }
0x5a: {  	_ =	shalt  }
0x5b: {  	_ =	shalt  }
0x5c: {  	_ =	shalt  }
0x5d: {  	_ =	shalt  }
0x5e: {  	_ =	shalt  }
0x5f: {  	_ =	shalt  }
0x60: {  	_ =	shalt  }
0x61: {  	_ =	shalt  }
0x62: {  	_ =	shalt  }
0x63: {  	_ =	shalt  }
0x64: {  	_ =	shalt  }
0x65: {  	_ =	shalt  }
0x66: {  	_ =	shalt  }
0x67: {  	_ =	shalt  }
0x68: {  	_ =	shalt  }
0x69: {  	_ =	shalt  }
0x6a: {  	_ =	shalt  }
0x6b: {  	_ =	shalt  }
0x6c: {  	_ =	shalt  }
0x6d: {  	_ =	shalt  }
0x6e: {  	_ =	shalt  }
0x6f: {  	_ =	shalt  }
0x70: {  	_ =	shalt  }
0x71: {  	_ =	shalt  }
0x72: {  	_ =	shalt  }
0x73: {  	_ =	shalt  }
0x74: {  	_ =	shalt  }
0x75: {  	_ =	shalt  }
0x76: {  	_ =	shalt  }
0x77: {  	_ =	shalt  }
0x78: {  	_ =	shalt  }
0x79: {  	_ =	shalt  }
0x7a: {  	_ =	shalt  }
0x7b: {  	_ =	shalt  }
0x7c: {  	_ =	shalt  }
0x7d: {  	_ =	shalt  }
0x7e: {  	_ =	shalt  }
0x7f: {  	_ =	shalt  }
0x80: {  	_ =	shalt  }
0x81: {  	_ =	shalt  }
0x82: {  	_ =	shalt  }
0x83: {  	_ =	shalt  }
0x84: {  	_ =	shalt  }
0x85: {  	_ =	shalt  }
0x86: {  	_ =	shalt  }
0x87: {  	_ =	shalt  }
.Lfunc_end0:
.L_simem_size_0:
called_computation_lowered:
.L_overlay_start_0:
0x88: {  	s2 =	sld [smem:$0x3FD9]  }
0x89: {  	s3 =	sld [smem:$0x3FFE];
	_ =	sdelay $0x1  }
0x8a: {  	s1 =	srdreg.scid  }
0x8b: {  	s0 =	sand.u32 $0x1, s1  }
0x8c: {  	s16 =	sshll.u32 s0, $0xA;
	s2 =	sadd.s32 s3, s2  }
0x8d: {  	s2 =	sadd.s32 s2, s16  }
0x8e: {  	[smem:$0x3FC0] =	sst s2  }
0x8f: {  	_ = 	snop  }
0x90: {  	(tm) =	ssettm $0x1  }
0x91: {  	s17 =	sld [smem:$0x3FFB];
	_ =	sdelay $0x3  }
0x92: {  	_ =	strace s17  }
0x93: {  	s2 =	sld [smem:$0x3FFC];
	_ =	sdelay $0x3  }
0x94: {  	_ =	strace s2  }
0x95: {  	s2 =	sld [smem:$0x3FFD];
	_ =	sdelay $0x3  }
0x96: {  	_ =	strace s2  }
0x97: {  	_ =	strace $0x8FFFFFFF  }
0x98: {  	s18 =	sld [smem:$0x3FDB];
	_ =	sdelay $0x1  }
0x99: {  	s19 =	simm.s32 $_scs_section_size  }
0x9a: {  	s4 =	simm.s32 $_size__tile_overlayer_lowered;
	s5 =	simm.s32 $_tile_overlayer_lowered  }
0x9b: {  	s22 =	simm.s32 $0x1BFF;
	s21 =	sshll.u32 s5, $0x1;
	s2 =	sadd.s32 s19, s18  }
0x9c: {  	s6 =	simm.s32 $0x0;
	s20 =	sshll.u32 s4, $0x1;
	s4 =	sadd.s32 s21, s2  }
0x9d: {  	[timem:s6], [sflag:s22] =	dma.local [hbm:s4], s20  }
0x9e: {  	_ =	swait.ge [sflag:s22], s20  }
0x9f: {  	s3 =	ssub.s32 $0x0, s20;
	[sflag:s22] =	ssyncset.done $0x0  }
0xa0: {  	[sflag:s22] =	ssyncadd.s32 s3;
	_ =	sdelay $0x1  }
0xa1: {  	s23 =	simm.s32 $0x1B8B  }
0xa2: {  	_ =	swait.ge [sflag:s23], $0x1  }
0xa3: {  	[sflag:s23] =	ssyncset.done $0x0  }
0xa4: {  	s25 =	simm.s32 $0x1B8E;
	s24 =	sld [smem:$0x3FFE];
	[sflag:s23] =	ssyncadd.s32 $0xFFFFFFFF  }
0xa5: {  	s26 =	simm.s32 $execute0_lowered;
	[smem:$0x3FD2] =	sst s25  }
0xa6: {  	s4 =	sshll.u32 s26, $0x1;
	_ =	strace $0x80000046;
	[dreg:$0x1] =	wrdreg $0xFFFFFFFF  }
0xa7: {  	s28 =	simm.s32 $_size_execute0_lowered;
	s2 =	sadd.s32 s2, s4;
	[dreg:$0x0] =	wrdreg $0x0  }
0xa8: {  	s4 =	sshll.u32 s28, $0x1;
	[dreg:$0x2] =	wrdreg s2  }
0xa9: {  	[dreg:$0x3] =	wrdreg s4  }
0xaa: {  	[dreg:$0x4] =	wrdreg $0xC0  }
0xab: {  	_ =	task [dreg:s6], $0x5FFFF  }
0xac: {  	[dreg:$0x1] =	wrdreg $0xFFFFFFFF  }
0xad: {  	[dreg:$0x0] =	wrdreg $0x60  }
0xae: {  	[dreg:$0x2] =	wrdreg s24  }
0xaf: {  	[dreg:$0x3] =	wrdreg $0x31000  }
0xb0: {  	[dreg:$0x4] =	wrdreg $0x9  }
0xb1: {  	_ =	task.clear_ibuf [dreg:s6], $0x5FFFF;
	_ =	strace $0x90000046  }
0xb2: {  	s29 =	simm.s32 $0x9;
	_ =	strace $0x80000048  }
0xb3: {  	_ =	swait.ge [sflag:s29], $0x1  }
0xb4: {  	[sflag:s29] =	ssyncadd.s32 $0xFFFFFFFF  }
0xb5: {  	_ =	strace $0x90000048  }
0xb6: {  	_ =	sfence  }
0xb7: {  	s30 =	sld [smem:$0x0];
	_ =	sdelay $0x2  }
0xb8: {  	s31 =	sshll.u32 s1, $0xD;
	s1 =	sshrl.u32 s1, $0x2  }
0xb9: {  	s3 =	sand.u32 $0x4000, s31;
	s1 =	sadd.s32 s1, s30  }
0xba: {  	s0 =	sor.u32 s3, s0;
	s1 =	sshll.u32 s1, $0x11  }
0xbb: {  	s0 =	sor.u32 s1, s0  }
0xbc: {  	s0 =	sadd.s32 $0x8F2B, s0  }
0xbd: {  	[sflag:s0] =	ssyncadd.remote.s32 $0x1  }
0xbe: {  	_ =	sfence.sel $0xFFFF  }
0xbf: {  	[dreg:$0x0] =	wrdreg $0xFFFFFFFF;
	(pc) =	sbr.abs _section_cstart, $3  }
0xc0: {  	[dreg:$0x1] =	wrdreg $0xFFFFFFFF  }
0xc1: {  	_ =	task.clear_ibuf [dreg:s6], $0x2FFFF;
	_ =	strace $0x9FFFFFFF  }
0xc2: {  	(tm) =	ssettm $0x7FFFFFFF  }
0xc3: {  	_ =	shalt  }
tec
execute0_lowered:
.L_overlay_start_1:
0x0: {  	(tag) =	ssettag $0x1  }
0x1: {  	s6 =	rddreg [dreg:$0x0]  }
0x2: {  	s0 =	srdreg.scid;
	s2 =	rddreg [dreg:$0x1];
	s3 =	simm.s32 $0x0  }
0x3: {  	s12 =	simm.s32 $0x2900;
	s5 =	sand.u32 $0x1, s0;
	s0 =	stileid.u32  }
0x4: {  	s13 =	simm.s32 $0x80;
	s14 =	simm.s32 $0x0;
	s7 =	smul.u32 $0x1400, s0  }
0x5: {  	[smem:$0x7FF] =	sst s3;
	s1 =	sshll.u32 s5, $0x4;
	s8 =	smul.u32 $0x28000, s5  }
0x6: {  	s10 =	ssub.s32 $0x2, s5;
	s5 =	sadd.s32 $0xC200, s6;
	s1 =	sor.u32 s0, s1  }
0x7: {  	s31 =	sshll.u32 s0, $0x6;
	s30 =	sshrl.u32 s10, $0x1;
	s4 =	smul.u32 $0x520, s1  }
0x8: {  	s1 =	rddreg [dreg:$0x2];
	_ =	strace $0x80000047;
	s8 =	sadd.s32 s7, s8  }
0x9: {  	s10 =	ssub.s32 s10, s30;
	s11 =	sadd.s32 s7, s2;
	s8 =	sshrl.u32 s8, $0x3  }
0xa: {  	s9 =	sadd.s32 s4, s6;
	s4 =	sadd.s32 $0xBE00, s6;
	s8 =	sadd.s32 s8, s6  }
0xb: {  	s6 =	sor.u32 $0x1C01, s31;
	s7 =	sadd.s32 $0x1A00, s9;
	s8 =	sadd.s32 $0xC400, s8  }
0xc: {  	s9 =	smax.u32 s10, $0x1;
	s10 =	sshrl.u32 s11, $0x3;
	s11 =	simm.s32 $0x1  }
.LBB2_1:
0xd: {  	[spmem:s10], [sflag:s6] =	dma.local [hbm:s4], $0x280  }
0xe: {  	_ =	swait.ge [sflag:s11], $0x280  }
0xf: {  	[sflag:s11] =	ssyncset.done $0x0  }
0x10: {  	[sflag:s11] =	ssyncadd.s32 $0xFFFFFD80  }
0x11: {  	[tilespmem:s12], [sflag:$0x1] =	stream.linear.gather [hbm4b:s5+s3], $0x800, $0x38;
	[tilespmem:$0x5900] =	vst v63  }
0x12: {  	_ =	swait.ge [sflag:s11], $0x800  }
0x13: {  	[sflag:s11] =	ssyncset.done $0x0  }
0x14: {  	[sflag:s11] =	ssyncadd.s32 $0xFFFFF800  }
0x15: {  	[tilespmem:s3], [sflag:$0x1] =	stream.linear.gather [hbm4b:s7+s3], $0x2900, $0x38;
	[tilespmem:$0x5900] =	vst v63  }
0x16: {  	_ =	swait.ge [sflag:s11], $0x2900  }
0x17: {  	[sflag:s11] =	ssyncset.done $0x0  }
0x18: {  	[sflag:s11] =	ssyncadd.s32 $0xFFFFD700  }
0x19: {  	s15 =	simm.s32 $0x0;
	[bflag:$0x0] =	sbarrier.arrive $0xFFFF  }
0x1a: {  	[spmem:s2] =	stream.indirect.scatter.add.f32 [tilespmem:s12], [sflag:$0x1], $0x10, s15, s13, $0xb8;
	[tilespmem:$0x5900] =	vst v63  }
0x1b: {  	_ =	swait.ge [sflag:s11], $0x800  }
0x1c: {  	s15 =	simm.s32 $0x200;
	[sflag:s11] =	ssyncset.done $0x0  }
.LBB2_2:
0x1d: {  	s16 =	sshra.s32 s15, $0x2;
	[sflag:s11] =	ssyncadd.s32 $0xFFFFF800;
	p0 =	sne.s32 s15, $0x9E00  }
0x1e: {  	[spmem:s2] =	stream.indirect.scatter.add.f32 [tilespmem:s12], [sflag:$0x1], $0x10, s16, s13, $0xb8;
	[tilespmem:$0x5900] =	vst v63  }
.Ltmp0:
0x1f: {  	_ = 	snop;
	(pc) =	sbr.rel @p0 .LBB2_2-.Ltmp0, $4  }
0x20: {  	_ = 	snop  }
0x21: {  	s15 =	sadd.s32 $0x200, s15  }
0x22: {  	_ =	swait.ge [sflag:s11], $0x800  }
0x23: {  	[sflag:s11] =	ssyncset.done $0x0  }
0x24: {  	s14 =	sadd.s32 $0x1, s14  }
0x25: {  	[sflag:s11] =	ssyncadd.s32 $0xFFFFF800;
	p0 =	sne.s32 s14, s9  }
.Ltmp1:
0x26: {  	[bflag:$0x0] =	sbarrier.arrive $0xFFFF;
	(pc) =	sbr.rel @p0 .LBB2_1-.Ltmp1, $4  }
0x27: {  	[hbm:s8], [sflag:s6] =	dma.local [spmem:s10], $0x280  }
0x28: {  	_ =	swait.ge [sflag:s11], $0x280  }
0x29: {  	[sflag:s11] =	ssyncset.done $0x0  }
0x2a: {  	[sflag:s11] =	ssyncadd.s32 $0xFFFFFD80  }
0x2b: {  	_ =	sfence.sel $0x180000  }
0x2c: {  	[bflag:$0x0] =	sbarrier.arrive $0xFFFF  }
0x2d: {  	p0 =	sne.s32 s0, $0x0;
	_ =	strace $0x90000047  }
0x2e: {  	s0 =	sadd.s32 @!p0 $0x100000, s1;
	[bflag:$0x2] =	sbarrier.arrive $0xFFFF  }
0x2f: {  	[sflag:s0] =	ssyncadd.tile.s32 @!p0 $0x1;
	_ =	shalt  }
.Lfunc_end2:
_tile_overlayer_lowered:
.L_overlay_start_2:
0x30: {  	(tag) =	ssettag $0x2  }
0x31: {  	s0 =	rddreg [dreg:$0x0];
	s2 =	stileid.u32  }
0x32: {  	s1 =	rddreg [dreg:$0x1];
	p0 =	sne.s32 s2, $0x0  }
0x33: {  	s3 =	rddreg [dreg:$0x2];
	[bflag:$0x3] =	sbarrier.arrive $0xFFFF;
	s2 =	simm.s32 @!p0 $0x1C01  }
0x34: {  	[timem:s3], [sflag:s2] =	dma.local @!p0 [hbm:s0], s1  }
0x35: {  	s0 =	simm.s32 @!p0 $0x1  }
0x36: {  	_ =	swait.ge @!p0 [sflag:s0], s1  }
0x37: {  	s1 =	ssub.s32 @!p0 $0x0, s1;
	[sflag:s0] =	ssyncset.done @!p0 $0x0  }
0x38: {  	[sflag:s0] =	ssyncadd.s32 @!p0 s1  }
0x39: {  	[bflag:$0x3] =	sbarrier.arrive $0xFFFF  }
0x3a: {  	_ =	shalt  }

</sc_bundles>
